<compile_context>
chip_gen: v7x
topology: tpu7x:2x2x1
jax: 0.10.2.dev20260603
libtpu: 0.0.44.dev20260713+nightly
codegen_flags: <defaults>
</compile_context>

<pallas_src>
import functools

import jax
import jax.numpy as jnp
from jax import lax
from jax.experimental import pallas as pl
from jax.experimental.pallas import tpu as pltpu
from jax.experimental.pallas import tpu_sc as plsc

BATCH = 16384
EMB_DIM = 64
NC = 2
NS = 16
NW = NC * NS
B_PER_W = BATCH // NW
CH = 128
NCH = B_PER_W // CH
HALF = NCH // 2
HC = HALF * CH
ID_ROWS = BATCH // CH

def _sc_gather_impl(uid_hbm, iid_hbm, ut_hbm, it_hbm, u_out, i_out,
                    uidx_v, iidx_v, ubuf_v, ibuf_v, sem):
    wid = lax.axis_index("s") * NC + lax.axis_index("c")
    base = wid * B_PER_W
    pltpu.sync_copy(uid_hbm.at[pl.ds((wid // 2) * 2 * NCH, 2 * NCH)], uidx_v)
    pltpu.sync_copy(iid_hbm.at[pl.ds((wid // 2) * 2 * NCH, 2 * NCH)], iidx_v)
    for h in range(NCH // HALF):
        copies = []
        for c in range(HALF):
            row = (wid % 2) * NCH + h * HALF + c
            copies.append(
                pltpu.async_copy(ut_hbm.at[uidx_v.at[row]],
                                 ubuf_v.at[pl.ds(c * CH, CH)], sem))
            copies.append(
                pltpu.async_copy(it_hbm.at[iidx_v.at[row]],
                                 ibuf_v.at[pl.ds(c * CH, CH)], sem))
        for cp in copies:
            cp.wait()
        pltpu.sync_copy(ubuf_v, u_out.at[pl.ds(base + h * HC, HC)])
        pltpu.sync_copy(ibuf_v, i_out.at[pl.ds(base + h * HC, HC)])


@functools.cache
def _sc_gather_kernel():
    mesh = plsc.VectorSubcoreMesh(core_axis_name="c", subcore_axis_name="s",
                                  num_cores=NC, num_subcores=NS)
    return pl.kernel(
        _sc_gather_impl,
        mesh=mesh,
        out_type=[
            jax.ShapeDtypeStruct((BATCH, 128), jnp.float32),
            jax.ShapeDtypeStruct((BATCH, 128), jnp.float32),
        ],
        scratch_types=[
            pltpu.VMEM((2 * NCH, CH), jnp.int32),
            pltpu.VMEM((2 * NCH, CH), jnp.int32),
            pltpu.VMEM((HC, 128), jnp.float32),
            pltpu.VMEM((HC, 128), jnp.float32),
            pltpu.SemaphoreType.DMA,
        ],
    )


MLP_BLK = 2048


def _mlp_body(u_ref, i_ref, pu_ref, pi_ref, w1u_ref, w1i_ref, b1_ref,
              w2t_ref, b2_ref, w3_ref, b3_ref, o_ref):
    xu = u_ref[...]
    xi = i_ref[...]
    pu = pu_ref[...]
    pi = pi_ref[...]
    u = xu[:, :EMB_DIM] + pu * (xu[:, EMB_DIM:] - xu[:, :EMB_DIM])
    it = xi[:, :EMB_DIM] + pi * (xi[:, EMB_DIM:] - xi[:, :EMB_DIM])
    h = jnp.dot(u, w1u_ref[...], preferred_element_type=jnp.float32)
    h = h + jnp.dot(it, w1i_ref[...], preferred_element_type=jnp.float32)
    h = jnp.maximum(h + b1_ref[...], 0.0)
    h2 = jnp.dot(h, w2t_ref[...], preferred_element_type=jnp.float32)
    h2 = jnp.maximum(h2 + b2_ref[...], 0.0)
    o_ref[...] = jnp.sum(h2 * w3_ref[...], axis=1) + b3_ref[0, 0]


def _mlp(u_raw, i_raw, pu, pi, w1u, w1i, b1, w2t, b2, w3, b3):
    grid = (BATCH // MLP_BLK,)
    full = lambda shape: pl.BlockSpec(shape, lambda i: (0, 0))
    return pl.pallas_call(
        _mlp_body,
        grid=grid,
        in_specs=[
            pl.BlockSpec((MLP_BLK, 128), lambda i: (i, 0)),
            pl.BlockSpec((MLP_BLK, 128), lambda i: (i, 0)),
            pl.BlockSpec((MLP_BLK, 1), lambda i: (i, 0)),
            pl.BlockSpec((MLP_BLK, 1), lambda i: (i, 0)),
            full((EMB_DIM, 128)),
            full((EMB_DIM, 128)),
            full((1, 128)),
            full((128, 64)),
            full((1, 64)),
            full((1, 64)),
            full((1, 1)),
        ],
        out_specs=pl.BlockSpec((MLP_BLK,), lambda i: (i,)),
        out_shape=jax.ShapeDtypeStruct((BATCH,), jnp.float32),
    )(u_raw, i_raw, pu, pi, w1u, w1i, b1, w2t, b2, w3, b3)


def kernel(user_ids, item_ids, user_table, item_table, W1, b1, W2, b2, W3, b3):
    uid = user_ids.astype(jnp.int32)
    iid = item_ids.astype(jnp.int32)
    uid_pair = (uid >> 1).reshape(ID_ROWS, CH)
    iid_pair = (iid >> 1).reshape(ID_ROWS, CH)
    pu = (uid & 1).astype(jnp.float32).reshape(BATCH, 1)
    pi = (iid & 1).astype(jnp.float32).reshape(BATCH, 1)
    ut2 = user_table.reshape(user_table.shape[0] // 2, 128)
    it2 = item_table.reshape(item_table.shape[0] // 2, 128)
    u_raw, i_raw = _sc_gather_kernel()(uid_pair, iid_pair, ut2, it2)
    w1u = W1[:, :EMB_DIM].T
    w1i = W1[:, EMB_DIM:].T
    return _mlp(u_raw, i_raw, pu, pi, w1u, w1i, b1.reshape(1, 128), W2.T,
                b2.reshape(1, 64), W3, b3.reshape(1, 1))

# --- scband reference (transcript-rebuilt; emitter-appended) ---
"""Pipeline reference for scband-recommender-net-1322849927877 (READ-ONLY COPY).

The authoritative reference and input builder live on the scoring server;
editing this copy changes nothing except your own understanding.
"""

import jax, jax.numpy as jnp
import numpy as np

NUM_USERS = 1000000
NUM_ITEMS = 1000000
EMB_DIM = 64
BATCH = 16384

def setup_inputs(seed: int = 0) -> dict:
    key = jax.random.key(seed)
    k1, k2, k3, k4, k5, k6, k7 = jax.random.split(key, 7)
    user_ids = jax.random.randint(k1, (BATCH,), 0, NUM_USERS, dtype=jnp.int64 if jax.config.jax_enable_x64 else jnp.int32)
    item_ids = jax.random.randint(k2, (BATCH,), 0, NUM_ITEMS, dtype=jnp.int64 if jax.config.jax_enable_x64 else jnp.int32)
    user_table = jax.random.normal(k3, (NUM_USERS, EMB_DIM), dtype=jnp.float32) * 0.02
    item_table = jax.random.normal(k4, (NUM_ITEMS, EMB_DIM), dtype=jnp.float32) * 0.02
    W1 = jax.random.normal(k5, (128, EMB_DIM * 2), dtype=jnp.float32) * (1.0 / np.sqrt(EMB_DIM * 2))
    b1 = jnp.zeros((128,), dtype=jnp.float32)
    W2 = jax.random.normal(k6, (64, 128), dtype=jnp.float32) * (1.0 / np.sqrt(128))
    b2 = jnp.zeros((64,), dtype=jnp.float32)
    W3 = jax.random.normal(k7, (1, 64), dtype=jnp.float32) * (1.0 / np.sqrt(64))
    b3 = jnp.zeros((1,), dtype=jnp.float32)
    return {"user_ids": user_ids, "item_ids": item_ids, "user_table": user_table, "item_table": item_table, "W1": W1, "b1": b1, "W2": W2, "b2": b2, "W3": W3, "b3": b3}

def reference(user_ids, item_ids, user_table, item_table, W1, b1, W2, b2, W3, b3):
    # embedding lookups (gather)
    user_embedded = jnp.take(user_table, user_ids, axis=0)
    item_embedded = jnp.take(item_table, item_ids, axis=0)
    combined = jnp.concatenate([user_embedded, item_embedded], axis=1)
    h = jnp.maximum(combined @ W1.T + b1, 0.0)
    # dropout is identity in eval mode
    h = jnp.maximum(h @ W2.T + b2, 0.0)
    out = h @ W3.T + b3
    return jnp.squeeze(out, axis=-1)

if __name__ == "__main__":
    import jax
    _d = setup_inputs()
    print(jax.jit(kernel)(*tuple(_d.values())))

</pallas_src>

<mosaic_0001>
#map = affine_map<(d0, d1) -> (0, 0)>
module attributes {stable_mosaic.version = 14 : i64} {
  func.func @_sc_gather_impl(%arg0: i32, %arg1: i32, %arg2: memref<128x128xi32, #tpu.memory_space<hbm>>, %arg3: memref<128x128xi32, #tpu.memory_space<hbm>>, %arg4: memref<500000x128xf32, #tpu.memory_space<hbm>>, %arg5: memref<500000x128xf32, #tpu.memory_space<hbm>>, %arg6: memref<16384x128xf32, #tpu.memory_space<hbm>>, %arg7: memref<16384x128xf32, #tpu.memory_space<hbm>>, %arg8: memref<8x128xi32, #tpu.memory_space<vmem>>, %arg9: memref<8x128xi32, #tpu.memory_space<vmem>>, %arg10: memref<256x128xf32, #tpu.memory_space<vmem>>, %arg11: memref<256x128xf32, #tpu.memory_space<vmem>>, %arg12: memref<!tpu.dma_semaphore, #tpu.memory_space<semaphore_mem>>) attributes {dimension_semantics = [#tpu.dimension_semantics<core_parallel>, #tpu.dimension_semantics<subcore_parallel>], iteration_bounds = array<i64: 2, 16>, scalar_prefetch = 0 : i64, scratch_operands = 5 : i64, tpu.core_type = #tpu.core_type<sc_vector_subcore>, window_params = [{transform_indices = #map}, {transform_indices = #map}, {transform_indices = #map}, {transform_indices = #map}, {transform_indices = #map}, {transform_indices = #map}]} {
    %mul3A = arith.constant 2 : i32
    %mul3A_0 = arith.muli %arg1, %mul3A : i32
    %add3A = arith.addi %mul3A_0, %arg0 : i32
    %mul3A_1 = arith.constant 512 : i32
    %mul3A_2 = arith.muli %add3A, %mul3A_1 : i32
    %jit3A = arith.constant 2 : i32
    %div3A = arith.divsi %add3A, %jit3A : i32
    %sign3A = arith.constant 0 : i32
    %sign3A_3 = arith.cmpi sgt, %add3A, %sign3A : i32
    %sign3A_4 = arith.extui %sign3A_3 : i1 to i32
    %sign3A_5 = arith.constant 0 : i32
    %sign3A_6 = arith.cmpi slt, %add3A, %sign3A_5 : i32
    %sign3A_7 = arith.extui %sign3A_6 : i1 to i32
    %sign3A_8 = arith.subi %sign3A_4, %sign3A_7 : i32
    %sign3A_9 = arith.constant 0 : i32
    %sign3A_10 = arith.cmpi sgt, %jit3A, %sign3A_9 : i32
    %sign3A_11 = arith.extui %sign3A_10 : i1 to i32
    %sign3A_12 = arith.constant 0 : i32
    %sign3A_13 = arith.cmpi slt, %jit3A, %sign3A_12 : i32
    %sign3A_14 = arith.extui %sign3A_13 : i1 to i32
    %sign3A_15 = arith.subi %sign3A_11, %sign3A_14 : i32
    %ne3A = arith.cmpi ne, %sign3A_8, %sign3A_15 : i32
    %rem3A = arith.remsi %add3A, %jit3A : i32
    %ne3A_16 = arith.constant 0 : i32
    %ne3A_17 = arith.cmpi ne, %rem3A, %ne3A_16 : i32
    %and3A = arith.andi %ne3A, %ne3A_17 : i1
    %sub3A = arith.constant 1 : i32
    %sub3A_18 = arith.subi %div3A, %sub3A : i32
    %select_n3A = arith.select %and3A, %sub3A_18, %div3A : i32
    %mul3A_19 = arith.constant 2 : i32
    %mul3A_20 = arith.muli %select_n3A, %mul3A_19 : i32
    %mul3A_21 = arith.constant 4 : i32
    %mul3A_22 = arith.muli %mul3A_20, %mul3A_21 : i32
    "tpu.region"() ({
      %run_scoped3A = tpu.sem_alloc : memref<!tpu.dma_semaphore, #tpu.memory_space<semaphore_mem>>
      %dma_start3A_287 = arith.constant 0 : i32
      %dma_start3A_288 = tpu.memref_slice %arg2[%mul3A_22, %dma_start3A_287] : memref<128x128xi32, #tpu.memory_space<hbm>> -> memref<8x128xi32, #tpu.memory_space<hbm>>
      %dma_start3A_289 = arith.constant 0 : i32
      %dma_start3A_290 = tpu.memref_slice %arg2[%mul3A_22, %dma_start3A_289] : memref<128x128xi32, #tpu.memory_space<hbm>> -> memref<8x128xi32, #tpu.memory_space<hbm>>
      tpu.enqueue_dma source(%dma_start3A_290 : memref<8x128xi32, #tpu.memory_space<hbm>>) target(%arg8 : memref<8x128xi32, #tpu.memory_space<vmem>>) target_semaphore(%run_scoped3A : memref<!tpu.dma_semaphore, #tpu.memory_space<semaphore_mem>>)
      %dma_wait3A_291 = arith.constant 0 : i32
      %dma_wait3A_292 = tpu.memref_slice %arg2[%mul3A_22, %dma_wait3A_291] : memref<128x128xi32, #tpu.memory_space<hbm>> -> memref<8x128xi32, #tpu.memory_space<hbm>>
      %dma_wait3A_293 = arith.constant 0 : i32
      %dma_wait3A_294 = tpu.memref_slice %arg2[%mul3A_22, %dma_wait3A_293] : memref<128x128xi32, #tpu.memory_space<hbm>> -> memref<8x128xi32, #tpu.memory_space<hbm>>
      tpu.wait_dma2 semaphore(%run_scoped3A : memref<!tpu.dma_semaphore, #tpu.memory_space<semaphore_mem>>) src(%dma_wait3A_294 : memref<8x128xi32, #tpu.memory_space<hbm>>) dst(%arg8 : memref<8x128xi32, #tpu.memory_space<vmem>>)
      tpu.yield
    }) : () -> ()
    %jit3A_23 = arith.constant 2 : i32
    %div3A_24 = arith.divsi %add3A, %jit3A_23 : i32
    %sign3A_25 = arith.constant 0 : i32
    %sign3A_26 = arith.cmpi sgt, %add3A, %sign3A_25 : i32
    %sign3A_27 = arith.extui %sign3A_26 : i1 to i32
    %sign3A_28 = arith.constant 0 : i32
    %sign3A_29 = arith.cmpi slt, %add3A, %sign3A_28 : i32
    %sign3A_30 = arith.extui %sign3A_29 : i1 to i32
    %sign3A_31 = arith.subi %sign3A_27, %sign3A_30 : i32
    %sign3A_32 = arith.constant 0 : i32
    %sign3A_33 = arith.cmpi sgt, %jit3A_23, %sign3A_32 : i32
    %sign3A_34 = arith.extui %sign3A_33 : i1 to i32
    %sign3A_35 = arith.constant 0 : i32
    %sign3A_36 = arith.cmpi slt, %jit3A_23, %sign3A_35 : i32
    %sign3A_37 = arith.extui %sign3A_36 : i1 to i32
    %sign3A_38 = arith.subi %sign3A_34, %sign3A_37 : i32
    %ne3A_39 = arith.cmpi ne, %sign3A_31, %sign3A_38 : i32
    %rem3A_40 = arith.remsi %add3A, %jit3A_23 : i32
    %ne3A_41 = arith.constant 0 : i32
    %ne3A_42 = arith.cmpi ne, %rem3A_40, %ne3A_41 : i32
    %and3A_43 = arith.andi %ne3A_39, %ne3A_42 : i1
    %sub3A_44 = arith.constant 1 : i32
    %sub3A_45 = arith.subi %div3A_24, %sub3A_44 : i32
    %select_n3A_46 = arith.select %and3A_43, %sub3A_45, %div3A_24 : i32
    %mul3A_47 = arith.constant 2 : i32
    %mul3A_48 = arith.muli %select_n3A_46, %mul3A_47 : i32
    %mul3A_49 = arith.constant 4 : i32
    %mul3A_50 = arith.muli %mul3A_48, %mul3A_49 : i32
    "tpu.region"() ({
      %run_scoped3A = tpu.sem_alloc : memref<!tpu.dma_semaphore, #tpu.memory_space<semaphore_mem>>
      %dma_start3A_287 = arith.constant 0 : i32
      %dma_start3A_288 = tpu.memref_slice %arg3[%mul3A_50, %dma_start3A_287] : memref<128x128xi32, #tpu.memory_space<hbm>> -> memref<8x128xi32, #tpu.memory_space<hbm>>
      %dma_start3A_289 = arith.constant 0 : i32
      %dma_start3A_290 = tpu.memref_slice %arg3[%mul3A_50, %dma_start3A_289] : memref<128x128xi32, #tpu.memory_space<hbm>> -> memref<8x128xi32, #tpu.memory_space<hbm>>
      tpu.enqueue_dma source(%dma_start3A_290 : memref<8x128xi32, #tpu.memory_space<hbm>>) target(%arg9 : memref<8x128xi32, #tpu.memory_space<vmem>>) target_semaphore(%run_scoped3A : memref<!tpu.dma_semaphore, #tpu.memory_space<semaphore_mem>>)
      %dma_wait3A_291 = arith.constant 0 : i32
      %dma_wait3A_292 = tpu.memref_slice %arg3[%mul3A_50, %dma_wait3A_291] : memref<128x128xi32, #tpu.memory_space<hbm>> -> memref<8x128xi32, #tpu.memory_space<hbm>>
      %dma_wait3A_293 = arith.constant 0 : i32
      %dma_wait3A_294 = tpu.memref_slice %arg3[%mul3A_50, %dma_wait3A_293] : memref<128x128xi32, #tpu.memory_space<hbm>> -> memref<8x128xi32, #tpu.memory_space<hbm>>
      tpu.wait_dma2 semaphore(%run_scoped3A : memref<!tpu.dma_semaphore, #tpu.memory_space<semaphore_mem>>) src(%dma_wait3A_294 : memref<8x128xi32, #tpu.memory_space<hbm>>) dst(%arg9 : memref<8x128xi32, #tpu.memory_space<vmem>>)
      tpu.yield
    }) : () -> ()
    %jit3A_51 = arith.constant 2 : i32
    %eq3A = arith.constant 0 : i32
    %eq3A_52 = arith.cmpi eq, %jit3A_51, %eq3A : i32
    %jit3A_53 = arith.constant 1 : i32
    %select_n3A_54 = arith.select %eq3A_52, %jit3A_53, %jit3A_51 : i32
    %rem3A_55 = arith.remsi %add3A, %select_n3A_54 : i32
    %ne3A_56 = arith.constant 0 : i32
    %ne3A_57 = arith.cmpi ne, %rem3A_55, %ne3A_56 : i32
    %lt3A = arith.constant 0 : i32
    %lt3A_58 = arith.cmpi slt, %rem3A_55, %lt3A : i32
    %lt3A_59 = arith.constant 0 : i32
    %lt3A_60 = arith.cmpi slt, %select_n3A_54, %lt3A_59 : i32
    %ne3A_61 = arith.xori %lt3A_58, %lt3A_60 : i1
    %and3A_62 = arith.andi %ne3A_61, %ne3A_57 : i1
    %add3A_63 = arith.addi %rem3A_55, %select_n3A_54 : i32
    %select_n3A_64 = arith.select %and3A_62, %add3A_63, %rem3A_55 : i32
    %mul3A_65 = arith.constant 4 : i32
    %mul3A_66 = arith.muli %select_n3A_64, %mul3A_65 : i32
    %add3A_67 = arith.constant 0 : i32
    %add3A_68 = arith.addi %mul3A_66, %add3A_67 : i32
    %add3A_69 = arith.constant 0 : i32
    %add3A_70 = arith.addi %add3A_68, %add3A_69 : i32
    %dma_start3A = arith.constant 0 : i32
    %dma_start3A_71 = arith.constant 0 : i32
    %dma_start3A_72 = tpu.memref_slice %arg10[%dma_start3A, %dma_start3A_71] : memref<256x128xf32, #tpu.memory_space<vmem>> -> memref<128x128xf32, #tpu.memory_space<vmem>>
    %dma_start3A_73 = arith.constant 0 : i32
    %dma_start3A_74 = tpu.memref_slice %arg8[%add3A_70, %dma_start3A_73] : memref<8x128xi32, #tpu.memory_space<vmem>> -> memref<1x128xi32, #tpu.memory_space<vmem>>
    %dma_start3A_75 = tpu.memref_squeeze %dma_start3A_74 : memref<1x128xi32, #tpu.memory_space<vmem>> -> memref<128xi32, #tpu.memory_space<vmem>>
    %dma_start3A_76 = arith.constant 0 : i32
    %dma_start3A_77 = arith.constant 0 : i32
    %dma_start3A_78 = tpu.memref_slice %arg4[%dma_start3A_76, %dma_start3A_77] : memref<500000x128xf32, #tpu.memory_space<hbm>> -> memref<500000x128xf32, #tpu.memory_space<hbm>>
    tpu.enqueue_indirect_dma source(%dma_start3A_78 : memref<500000x128xf32, #tpu.memory_space<hbm>>) target(%dma_start3A_72 : memref<128x128xf32, #tpu.memory_space<vmem>>) offsets(%dma_start3A_75 : memref<128xi32, #tpu.memory_space<vmem>>) semaphore(%arg12 : memref<!tpu.dma_semaphore, #tpu.memory_space<semaphore_mem>>)
    %dma_start3A_79 = arith.constant 0 : i32
    %dma_start3A_80 = arith.constant 0 : i32
    %dma_start3A_81 = tpu.memref_slice %arg11[%dma_start3A_79, %dma_start3A_80] : memref<256x128xf32, #tpu.memory_space<vmem>> -> memref<128x128xf32, #tpu.memory_space<vmem>>
    %dma_start3A_82 = arith.constant 0 : i32
    %dma_start3A_83 = tpu.memref_slice %arg9[%add3A_70, %dma_start3A_82] : memref<8x128xi32, #tpu.memory_space<vmem>> -> memref<1x128xi32, #tpu.memory_space<vmem>>
    %dma_start3A_84 = tpu.memref_squeeze %dma_start3A_83 : memref<1x128xi32, #tpu.memory_space<vmem>> -> memref<128xi32, #tpu.memory_space<vmem>>
    %dma_start3A_85 = arith.constant 0 : i32
    %dma_start3A_86 = arith.constant 0 : i32
    %dma_start3A_87 = tpu.memref_slice %arg5[%dma_start3A_85, %dma_start3A_86] : memref<500000x128xf32, #tpu.memory_space<hbm>> -> memref<500000x128xf32, #tpu.memory_space<hbm>>
    tpu.enqueue_indirect_dma source(%dma_start3A_87 : memref<500000x128xf32, #tpu.memory_space<hbm>>) target(%dma_start3A_81 : memref<128x128xf32, #tpu.memory_space<vmem>>) offsets(%dma_start3A_84 : memref<128xi32, #tpu.memory_space<vmem>>) semaphore(%arg12 : memref<!tpu.dma_semaphore, #tpu.memory_space<semaphore_mem>>)
    %jit3A_88 = arith.constant 2 : i32
    %eq3A_89 = arith.constant 0 : i32
    %eq3A_90 = arith.cmpi eq, %jit3A_88, %eq3A_89 : i32
    %jit3A_91 = arith.constant 1 : i32
    %select_n3A_92 = arith.select %eq3A_90, %jit3A_91, %jit3A_88 : i32
    %rem3A_93 = arith.remsi %add3A, %select_n3A_92 : i32
    %ne3A_94 = arith.constant 0 : i32
    %ne3A_95 = arith.cmpi ne, %rem3A_93, %ne3A_94 : i32
    %lt3A_96 = arith.constant 0 : i32
    %lt3A_97 = arith.cmpi slt, %rem3A_93, %lt3A_96 : i32
    %lt3A_98 = arith.constant 0 : i32
    %lt3A_99 = arith.cmpi slt, %select_n3A_92, %lt3A_98 : i32
    %ne3A_100 = arith.xori %lt3A_97, %lt3A_99 : i1
    %and3A_101 = arith.andi %ne3A_100, %ne3A_95 : i1
    %add3A_102 = arith.addi %rem3A_93, %select_n3A_92 : i32
    %select_n3A_103 = arith.select %and3A_101, %add3A_102, %rem3A_93 : i32
    %mul3A_104 = arith.constant 4 : i32
    %mul3A_105 = arith.muli %select_n3A_103, %mul3A_104 : i32
    %add3A_106 = arith.constant 0 : i32
    %add3A_107 = arith.addi %mul3A_105, %add3A_106 : i32
    %add3A_108 = arith.constant 1 : i32
    %add3A_109 = arith.addi %add3A_107, %add3A_108 : i32
    %dma_start3A_110 = arith.constant 128 : i32
    %dma_start3A_111 = arith.constant 0 : i32
    %dma_start3A_112 = tpu.memref_slice %arg10[%dma_start3A_110, %dma_start3A_111] : memref<256x128xf32, #tpu.memory_space<vmem>> -> memref<128x128xf32, #tpu.memory_space<vmem>>
    %dma_start3A_113 = arith.constant 0 : i32
    %dma_start3A_114 = tpu.memref_slice %arg8[%add3A_109, %dma_start3A_113] : memref<8x128xi32, #tpu.memory_space<vmem>> -> memref<1x128xi32, #tpu.memory_space<vmem>>
    %dma_start3A_115 = tpu.memref_squeeze %dma_start3A_114 : memref<1x128xi32, #tpu.memory_space<vmem>> -> memref<128xi32, #tpu.memory_space<vmem>>
    %dma_start3A_116 = arith.constant 0 : i32
    %dma_start3A_117 = arith.constant 0 : i32
    %dma_start3A_118 = tpu.memref_slice %arg4[%dma_start3A_116, %dma_start3A_117] : memref<500000x128xf32, #tpu.memory_space<hbm>> -> memref<500000x128xf32, #tpu.memory_space<hbm>>
    tpu.enqueue_indirect_dma source(%dma_start3A_118 : memref<500000x128xf32, #tpu.memory_space<hbm>>) target(%dma_start3A_112 : memref<128x128xf32, #tpu.memory_space<vmem>>) offsets(%dma_start3A_115 : memref<128xi32, #tpu.memory_space<vmem>>) semaphore(%arg12 : memref<!tpu.dma_semaphore, #tpu.memory_space<semaphore_mem>>)
    %dma_start3A_119 = arith.constant 128 : i32
    %dma_start3A_120 = arith.constant 0 : i32
    %dma_start3A_121 = tpu.memref_slice %arg11[%dma_start3A_119, %dma_start3A_120] : memref<256x128xf32, #tpu.memory_space<vmem>> -> memref<128x128xf32, #tpu.memory_space<vmem>>
    %dma_start3A_122 = arith.constant 0 : i32
    %dma_start3A_123 = tpu.memref_slice %arg9[%add3A_109, %dma_start3A_122] : memref<8x128xi32, #tpu.memory_space<vmem>> -> memref<1x128xi32, #tpu.memory_space<vmem>>
    %dma_start3A_124 = tpu.memref_squeeze %dma_start3A_123 : memref<1x128xi32, #tpu.memory_space<vmem>> -> memref<128xi32, #tpu.memory_space<vmem>>
    %dma_start3A_125 = arith.constant 0 : i32
    %dma_start3A_126 = arith.constant 0 : i32
    %dma_start3A_127 = tpu.memref_slice %arg5[%dma_start3A_125, %dma_start3A_126] : memref<500000x128xf32, #tpu.memory_space<hbm>> -> memref<500000x128xf32, #tpu.memory_space<hbm>>
    tpu.enqueue_indirect_dma source(%dma_start3A_127 : memref<500000x128xf32, #tpu.memory_space<hbm>>) target(%dma_start3A_121 : memref<128x128xf32, #tpu.memory_space<vmem>>) offsets(%dma_start3A_124 : memref<128xi32, #tpu.memory_space<vmem>>) semaphore(%arg12 : memref<!tpu.dma_semaphore, #tpu.memory_space<semaphore_mem>>)
    %dma_wait3A = arith.constant 0 : i32
    %dma_wait3A_128 = arith.constant 0 : i32
    %dma_wait3A_129 = tpu.memref_slice %arg10[%dma_wait3A, %dma_wait3A_128] : memref<256x128xf32, #tpu.memory_space<vmem>> -> memref<128x128xf32, #tpu.memory_space<vmem>>
    %dma_wait3A_130 = arith.constant 0 : i32
    %dma_wait3A_131 = tpu.memref_slice %arg8[%add3A_70, %dma_wait3A_130] : memref<8x128xi32, #tpu.memory_space<vmem>> -> memref<1x128xi32, #tpu.memory_space<vmem>>
    %dma_wait3A_132 = tpu.memref_squeeze %dma_wait3A_131 : memref<1x128xi32, #tpu.memory_space<vmem>> -> memref<128xi32, #tpu.memory_space<vmem>>
    %dma_wait3A_133 = arith.constant 0 : i32
    %dma_wait3A_134 = arith.constant 0 : i32
    %dma_wait3A_135 = tpu.memref_slice %arg4[%dma_wait3A_133, %dma_wait3A_134] : memref<500000x128xf32, #tpu.memory_space<hbm>> -> memref<500000x128xf32, #tpu.memory_space<hbm>>
    tpu.wait_indirect_dma semaphore(%arg12 : memref<!tpu.dma_semaphore, #tpu.memory_space<semaphore_mem>>) src(%dma_wait3A_135 : memref<500000x128xf32, #tpu.memory_space<hbm>>) dst(%dma_wait3A_129 : memref<128x128xf32, #tpu.memory_space<vmem>>)
    %dma_wait3A_136 = arith.constant 0 : i32
    %dma_wait3A_137 = arith.constant 0 : i32
    %dma_wait3A_138 = tpu.memref_slice %arg11[%dma_wait3A_136, %dma_wait3A_137] : memref<256x128xf32, #tpu.memory_space<vmem>> -> memref<128x128xf32, #tpu.memory_space<vmem>>
    %dma_wait3A_139 = arith.constant 0 : i32
    %dma_wait3A_140 = tpu.memref_slice %arg9[%add3A_70, %dma_wait3A_139] : memref<8x128xi32, #tpu.memory_space<vmem>> -> memref<1x128xi32, #tpu.memory_space<vmem>>
    %dma_wait3A_141 = tpu.memref_squeeze %dma_wait3A_140 : memref<1x128xi32, #tpu.memory_space<vmem>> -> memref<128xi32, #tpu.memory_space<vmem>>
    %dma_wait3A_142 = arith.constant 0 : i32
    %dma_wait3A_143 = arith.constant 0 : i32
    %dma_wait3A_144 = tpu.memref_slice %arg5[%dma_wait3A_142, %dma_wait3A_143] : memref<500000x128xf32, #tpu.memory_space<hbm>> -> memref<500000x128xf32, #tpu.memory_space<hbm>>
    tpu.wait_indirect_dma semaphore(%arg12 : memref<!tpu.dma_semaphore, #tpu.memory_space<semaphore_mem>>) src(%dma_wait3A_144 : memref<500000x128xf32, #tpu.memory_space<hbm>>) dst(%dma_wait3A_138 : memref<128x128xf32, #tpu.memory_space<vmem>>)
    %dma_wait3A_145 = arith.constant 128 : i32
    %dma_wait3A_146 = arith.constant 0 : i32
    %dma_wait3A_147 = tpu.memref_slice %arg10[%dma_wait3A_145, %dma_wait3A_146] : memref<256x128xf32, #tpu.memory_space<vmem>> -> memref<128x128xf32, #tpu.memory_space<vmem>>
    %dma_wait3A_148 = arith.constant 0 : i32
    %dma_wait3A_149 = tpu.memref_slice %arg8[%add3A_109, %dma_wait3A_148] : memref<8x128xi32, #tpu.memory_space<vmem>> -> memref<1x128xi32, #tpu.memory_space<vmem>>
    %dma_wait3A_150 = tpu.memref_squeeze %dma_wait3A_149 : memref<1x128xi32, #tpu.memory_space<vmem>> -> memref<128xi32, #tpu.memory_space<vmem>>
    %dma_wait3A_151 = arith.constant 0 : i32
    %dma_wait3A_152 = arith.constant 0 : i32
    %dma_wait3A_153 = tpu.memref_slice %arg4[%dma_wait3A_151, %dma_wait3A_152] : memref<500000x128xf32, #tpu.memory_space<hbm>> -> memref<500000x128xf32, #tpu.memory_space<hbm>>
    tpu.wait_indirect_dma semaphore(%arg12 : memref<!tpu.dma_semaphore, #tpu.memory_space<semaphore_mem>>) src(%dma_wait3A_153 : memref<500000x128xf32, #tpu.memory_space<hbm>>) dst(%dma_wait3A_147 : memref<128x128xf32, #tpu.memory_space<vmem>>)
    %dma_wait3A_154 = arith.constant 128 : i32
    %dma_wait3A_155 = arith.constant 0 : i32
    %dma_wait3A_156 = tpu.memref_slice %arg11[%dma_wait3A_154, %dma_wait3A_155] : memref<256x128xf32, #tpu.memory_space<vmem>> -> memref<128x128xf32, #tpu.memory_space<vmem>>
    %dma_wait3A_157 = arith.constant 0 : i32
    %dma_wait3A_158 = tpu.memref_slice %arg9[%add3A_109, %dma_wait3A_157] : memref<8x128xi32, #tpu.memory_space<vmem>> -> memref<1x128xi32, #tpu.memory_space<vmem>>
    %dma_wait3A_159 = tpu.memref_squeeze %dma_wait3A_158 : memref<1x128xi32, #tpu.memory_space<vmem>> -> memref<128xi32, #tpu.memory_space<vmem>>
    %dma_wait3A_160 = arith.constant 0 : i32
    %dma_wait3A_161 = arith.constant 0 : i32
    %dma_wait3A_162 = tpu.memref_slice %arg5[%dma_wait3A_160, %dma_wait3A_161] : memref<500000x128xf32, #tpu.memory_space<hbm>> -> memref<500000x128xf32, #tpu.memory_space<hbm>>
    tpu.wait_indirect_dma semaphore(%arg12 : memref<!tpu.dma_semaphore, #tpu.memory_space<semaphore_mem>>) src(%dma_wait3A_162 : memref<500000x128xf32, #tpu.memory_space<hbm>>) dst(%dma_wait3A_156 : memref<128x128xf32, #tpu.memory_space<vmem>>)
    %add3A_163 = arith.constant 0 : i32
    %add3A_164 = arith.addi %mul3A_2, %add3A_163 : i32
    "tpu.region"() ({
      %run_scoped3A = tpu.sem_alloc : memref<!tpu.dma_semaphore, #tpu.memory_space<semaphore_mem>>
      %dma_start3A_287 = arith.constant 0 : i32
      %dma_start3A_288 = tpu.memref_slice %arg6[%add3A_164, %dma_start3A_287] : memref<16384x128xf32, #tpu.memory_space<hbm>> -> memref<256x128xf32, #tpu.memory_space<hbm>>
      %dma_start3A_289 = arith.constant 0 : i32
      %dma_start3A_290 = tpu.memref_slice %arg6[%add3A_164, %dma_start3A_289] : memref<16384x128xf32, #tpu.memory_space<hbm>> -> memref<256x128xf32, #tpu.memory_space<hbm>>
      tpu.enqueue_dma source(%arg10 : memref<256x128xf32, #tpu.memory_space<vmem>>) target(%dma_start3A_290 : memref<256x128xf32, #tpu.memory_space<hbm>>) target_semaphore(%run_scoped3A : memref<!tpu.dma_semaphore, #tpu.memory_space<semaphore_mem>>)
      %dma_wait3A_291 = arith.constant 0 : i32
      %dma_wait3A_292 = tpu.memref_slice %arg6[%add3A_164, %dma_wait3A_291] : memref<16384x128xf32, #tpu.memory_space<hbm>> -> memref<256x128xf32, #tpu.memory_space<hbm>>
      %dma_wait3A_293 = arith.constant 0 : i32
      %dma_wait3A_294 = tpu.memref_slice %arg6[%add3A_164, %dma_wait3A_293] : memref<16384x128xf32, #tpu.memory_space<hbm>> -> memref<256x128xf32, #tpu.memory_space<hbm>>
      tpu.wait_dma2 semaphore(%run_scoped3A : memref<!tpu.dma_semaphore, #tpu.memory_space<semaphore_mem>>) src(%arg10 : memref<256x128xf32, #tpu.memory_space<vmem>>) dst(%dma_wait3A_294 : memref<256x128xf32, #tpu.memory_space<hbm>>)
      tpu.yield
    }) : () -> ()
    %add3A_165 = arith.constant 0 : i32
    %add3A_166 = arith.addi %mul3A_2, %add3A_165 : i32
    "tpu.region"() ({
      %run_scoped3A = tpu.sem_alloc : memref<!tpu.dma_semaphore, #tpu.memory_space<semaphore_mem>>
      %dma_start3A_287 = arith.constant 0 : i32
      %dma_start3A_288 = tpu.memref_slice %arg7[%add3A_166, %dma_start3A_287] : memref<16384x128xf32, #tpu.memory_space<hbm>> -> memref<256x128xf32, #tpu.memory_space<hbm>>
      %dma_start3A_289 = arith.constant 0 : i32
      %dma_start3A_290 = tpu.memref_slice %arg7[%add3A_166, %dma_start3A_289] : memref<16384x128xf32, #tpu.memory_space<hbm>> -> memref<256x128xf32, #tpu.memory_space<hbm>>
      tpu.enqueue_dma source(%arg11 : memref<256x128xf32, #tpu.memory_space<vmem>>) target(%dma_start3A_290 : memref<256x128xf32, #tpu.memory_space<hbm>>) target_semaphore(%run_scoped3A : memref<!tpu.dma_semaphore, #tpu.memory_space<semaphore_mem>>)
      %dma_wait3A_291 = arith.constant 0 : i32
      %dma_wait3A_292 = tpu.memref_slice %arg7[%add3A_166, %dma_wait3A_291] : memref<16384x128xf32, #tpu.memory_space<hbm>> -> memref<256x128xf32, #tpu.memory_space<hbm>>
      %dma_wait3A_293 = arith.constant 0 : i32
      %dma_wait3A_294 = tpu.memref_slice %arg7[%add3A_166, %dma_wait3A_293] : memref<16384x128xf32, #tpu.memory_space<hbm>> -> memref<256x128xf32, #tpu.memory_space<hbm>>
      tpu.wait_dma2 semaphore(%run_scoped3A : memref<!tpu.dma_semaphore, #tpu.memory_space<semaphore_mem>>) src(%arg11 : memref<256x128xf32, #tpu.memory_space<vmem>>) dst(%dma_wait3A_294 : memref<256x128xf32, #tpu.memory_space<hbm>>)
      tpu.yield
    }) : () -> ()
    %jit3A_167 = arith.constant 2 : i32
    %eq3A_168 = arith.constant 0 : i32
    %eq3A_169 = arith.cmpi eq, %jit3A_167, %eq3A_168 : i32
    %jit3A_170 = arith.constant 1 : i32
    %select_n3A_171 = arith.select %eq3A_169, %jit3A_170, %jit3A_167 : i32
    %rem3A_172 = arith.remsi %add3A, %select_n3A_171 : i32
    %ne3A_173 = arith.constant 0 : i32
    %ne3A_174 = arith.cmpi ne, %rem3A_172, %ne3A_173 : i32
    %lt3A_175 = arith.constant 0 : i32
    %lt3A_176 = arith.cmpi slt, %rem3A_172, %lt3A_175 : i32
    %lt3A_177 = arith.constant 0 : i32
    %lt3A_178 = arith.cmpi slt, %select_n3A_171, %lt3A_177 : i32
    %ne3A_179 = arith.xori %lt3A_176, %lt3A_178 : i1
    %and3A_180 = arith.andi %ne3A_179, %ne3A_174 : i1
    %add3A_181 = arith.addi %rem3A_172, %select_n3A_171 : i32
    %select_n3A_182 = arith.select %and3A_180, %add3A_181, %rem3A_172 : i32
    %mul3A_183 = arith.constant 4 : i32
    %mul3A_184 = arith.muli %select_n3A_182, %mul3A_183 : i32
    %add3A_185 = arith.constant 2 : i32
    %add3A_186 = arith.addi %mul3A_184, %add3A_185 : i32
    %add3A_187 = arith.constant 0 : i32
    %add3A_188 = arith.addi %add3A_186, %add3A_187 : i32
    %dma_start3A_189 = arith.constant 0 : i32
    %dma_start3A_190 = arith.constant 0 : i32
    %dma_start3A_191 = tpu.memref_slice %arg10[%dma_start3A_189, %dma_start3A_190] : memref<256x128xf32, #tpu.memory_space<vmem>> -> memref<128x128xf32, #tpu.memory_space<vmem>>
    %dma_start3A_192 = arith.constant 0 : i32
    %dma_start3A_193 = tpu.memref_slice %arg8[%add3A_188, %dma_start3A_192] : memref<8x128xi32, #tpu.memory_space<vmem>> -> memref<1x128xi32, #tpu.memory_space<vmem>>
    %dma_start3A_194 = tpu.memref_squeeze %dma_start3A_193 : memref<1x128xi32, #tpu.memory_space<vmem>> -> memref<128xi32, #tpu.memory_space<vmem>>
    %dma_start3A_195 = arith.constant 0 : i32
    %dma_start3A_196 = arith.constant 0 : i32
    %dma_start3A_197 = tpu.memref_slice %arg4[%dma_start3A_195, %dma_start3A_196] : memref<500000x128xf32, #tpu.memory_space<hbm>> -> memref<500000x128xf32, #tpu.memory_space<hbm>>
    tpu.enqueue_indirect_dma source(%dma_start3A_197 : memref<500000x128xf32, #tpu.memory_space<hbm>>) target(%dma_start3A_191 : memref<128x128xf32, #tpu.memory_space<vmem>>) offsets(%dma_start3A_194 : memref<128xi32, #tpu.memory_space<vmem>>) semaphore(%arg12 : memref<!tpu.dma_semaphore, #tpu.memory_space<semaphore_mem>>)
    %dma_start3A_198 = arith.constant 0 : i32
    %dma_start3A_199 = arith.constant 0 : i32
    %dma_start3A_200 = tpu.memref_slice %arg11[%dma_start3A_198, %dma_start3A_199] : memref<256x128xf32, #tpu.memory_space<vmem>> -> memref<128x128xf32, #tpu.memory_space<vmem>>
    %dma_start3A_201 = arith.constant 0 : i32
    %dma_start3A_202 = tpu.memref_slice %arg9[%add3A_188, %dma_start3A_201] : memref<8x128xi32, #tpu.memory_space<vmem>> -> memref<1x128xi32, #tpu.memory_space<vmem>>
    %dma_start3A_203 = tpu.memref_squeeze %dma_start3A_202 : memref<1x128xi32, #tpu.memory_space<vmem>> -> memref<128xi32, #tpu.memory_space<vmem>>
    %dma_start3A_204 = arith.constant 0 : i32
    %dma_start3A_205 = arith.constant 0 : i32
    %dma_start3A_206 = tpu.memref_slice %arg5[%dma_start3A_204, %dma_start3A_205] : memref<500000x128xf32, #tpu.memory_space<hbm>> -> memref<500000x128xf32, #tpu.memory_space<hbm>>
    tpu.enqueue_indirect_dma source(%dma_start3A_206 : memref<500000x128xf32, #tpu.memory_space<hbm>>) target(%dma_start3A_200 : memref<128x128xf32, #tpu.memory_space<vmem>>) offsets(%dma_start3A_203 : memref<128xi32, #tpu.memory_space<vmem>>) semaphore(%arg12 : memref<!tpu.dma_semaphore, #tpu.memory_space<semaphore_mem>>)
    %jit3A_207 = arith.constant 2 : i32
    %eq3A_208 = arith.constant 0 : i32
    %eq3A_209 = arith.cmpi eq, %jit3A_207, %eq3A_208 : i32
    %jit3A_210 = arith.constant 1 : i32
    %select_n3A_211 = arith.select %eq3A_209, %jit3A_210, %jit3A_207 : i32
    %rem3A_212 = arith.remsi %add3A, %select_n3A_211 : i32
    %ne3A_213 = arith.constant 0 : i32
    %ne3A_214 = arith.cmpi ne, %rem3A_212, %ne3A_213 : i32
    %lt3A_215 = arith.constant 0 : i32
    %lt3A_216 = arith.cmpi slt, %rem3A_212, %lt3A_215 : i32
    %lt3A_217 = arith.constant 0 : i32
    %lt3A_218 = arith.cmpi slt, %select_n3A_211, %lt3A_217 : i32
    %ne3A_219 = arith.xori %lt3A_216, %lt3A_218 : i1
    %and3A_220 = arith.andi %ne3A_219, %ne3A_214 : i1
    %add3A_221 = arith.addi %rem3A_212, %select_n3A_211 : i32
    %select_n3A_222 = arith.select %and3A_220, %add3A_221, %rem3A_212 : i32
    %mul3A_223 = arith.constant 4 : i32
    %mul3A_224 = arith.muli %select_n3A_222, %mul3A_223 : i32
    %add3A_225 = arith.constant 2 : i32
    %add3A_226 = arith.addi %mul3A_224, %add3A_225 : i32
    %add3A_227 = arith.constant 1 : i32
    %add3A_228 = arith.addi %add3A_226, %add3A_227 : i32
    %dma_start3A_229 = arith.constant 128 : i32
    %dma_start3A_230 = arith.constant 0 : i32
    %dma_start3A_231 = tpu.memref_slice %arg10[%dma_start3A_229, %dma_start3A_230] : memref<256x128xf32, #tpu.memory_space<vmem>> -> memref<128x128xf32, #tpu.memory_space<vmem>>
    %dma_start3A_232 = arith.constant 0 : i32
    %dma_start3A_233 = tpu.memref_slice %arg8[%add3A_228, %dma_start3A_232] : memref<8x128xi32, #tpu.memory_space<vmem>> -> memref<1x128xi32, #tpu.memory_space<vmem>>
    %dma_start3A_234 = tpu.memref_squeeze %dma_start3A_233 : memref<1x128xi32, #tpu.memory_space<vmem>> -> memref<128xi32, #tpu.memory_space<vmem>>
    %dma_start3A_235 = arith.constant 0 : i32
    %dma_start3A_236 = arith.constant 0 : i32
    %dma_start3A_237 = tpu.memref_slice %arg4[%dma_start3A_235, %dma_start3A_236] : memref<500000x128xf32, #tpu.memory_space<hbm>> -> memref<500000x128xf32, #tpu.memory_space<hbm>>
    tpu.enqueue_indirect_dma source(%dma_start3A_237 : memref<500000x128xf32, #tpu.memory_space<hbm>>) target(%dma_start3A_231 : memref<128x128xf32, #tpu.memory_space<vmem>>) offsets(%dma_start3A_234 : memref<128xi32, #tpu.memory_space<vmem>>) semaphore(%arg12 : memref<!tpu.dma_semaphore, #tpu.memory_space<semaphore_mem>>)
    %dma_start3A_238 = arith.constant 128 : i32
    %dma_start3A_239 = arith.constant 0 : i32
    %dma_start3A_240 = tpu.memref_slice %arg11[%dma_start3A_238, %dma_start3A_239] : memref<256x128xf32, #tpu.memory_space<vmem>> -> memref<128x128xf32, #tpu.memory_space<vmem>>
    %dma_start3A_241 = arith.constant 0 : i32
    %dma_start3A_242 = tpu.memref_slice %arg9[%add3A_228, %dma_start3A_241] : memref<8x128xi32, #tpu.memory_space<vmem>> -> memref<1x128xi32, #tpu.memory_space<vmem>>
    %dma_start3A_243 = tpu.memref_squeeze %dma_start3A_242 : memref<1x128xi32, #tpu.memory_space<vmem>> -> memref<128xi32, #tpu.memory_space<vmem>>
    %dma_start3A_244 = arith.constant 0 : i32
    %dma_start3A_245 = arith.constant 0 : i32
    %dma_start3A_246 = tpu.memref_slice %arg5[%dma_start3A_244, %dma_start3A_245] : memref<500000x128xf32, #tpu.memory_space<hbm>> -> memref<500000x128xf32, #tpu.memory_space<hbm>>
    tpu.enqueue_indirect_dma source(%dma_start3A_246 : memref<500000x128xf32, #tpu.memory_space<hbm>>) target(%dma_start3A_240 : memref<128x128xf32, #tpu.memory_space<vmem>>) offsets(%dma_start3A_243 : memref<128xi32, #tpu.memory_space<vmem>>) semaphore(%arg12 : memref<!tpu.dma_semaphore, #tpu.memory_space<semaphore_mem>>)
    %dma_wait3A_247 = arith.constant 0 : i32
    %dma_wait3A_248 = arith.constant 0 : i32
    %dma_wait3A_249 = tpu.memref_slice %arg10[%dma_wait3A_247, %dma_wait3A_248] : memref<256x128xf32, #tpu.memory_space<vmem>> -> memref<128x128xf32, #tpu.memory_space<vmem>>
    %dma_wait3A_250 = arith.constant 0 : i32
    %dma_wait3A_251 = tpu.memref_slice %arg8[%add3A_188, %dma_wait3A_250] : memref<8x128xi32, #tpu.memory_space<vmem>> -> memref<1x128xi32, #tpu.memory_space<vmem>>
    %dma_wait3A_252 = tpu.memref_squeeze %dma_wait3A_251 : memref<1x128xi32, #tpu.memory_space<vmem>> -> memref<128xi32, #tpu.memory_space<vmem>>
    %dma_wait3A_253 = arith.constant 0 : i32
    %dma_wait3A_254 = arith.constant 0 : i32
    %dma_wait3A_255 = tpu.memref_slice %arg4[%dma_wait3A_253, %dma_wait3A_254] : memref<500000x128xf32, #tpu.memory_space<hbm>> -> memref<500000x128xf32, #tpu.memory_space<hbm>>
    tpu.wait_indirect_dma semaphore(%arg12 : memref<!tpu.dma_semaphore, #tpu.memory_space<semaphore_mem>>) src(%dma_wait3A_255 : memref<500000x128xf32, #tpu.memory_space<hbm>>) dst(%dma_wait3A_249 : memref<128x128xf32, #tpu.memory_space<vmem>>)
    %dma_wait3A_256 = arith.constant 0 : i32
    %dma_wait3A_257 = arith.constant 0 : i32
    %dma_wait3A_258 = tpu.memref_slice %arg11[%dma_wait3A_256, %dma_wait3A_257] : memref<256x128xf32, #tpu.memory_space<vmem>> -> memref<128x128xf32, #tpu.memory_space<vmem>>
    %dma_wait3A_259 = arith.constant 0 : i32
    %dma_wait3A_260 = tpu.memref_slice %arg9[%add3A_188, %dma_wait3A_259] : memref<8x128xi32, #tpu.memory_space<vmem>> -> memref<1x128xi32, #tpu.memory_space<vmem>>
    %dma_wait3A_261 = tpu.memref_squeeze %dma_wait3A_260 : memref<1x128xi32, #tpu.memory_space<vmem>> -> memref<128xi32, #tpu.memory_space<vmem>>
    %dma_wait3A_262 = arith.constant 0 : i32
    %dma_wait3A_263 = arith.constant 0 : i32
    %dma_wait3A_264 = tpu.memref_slice %arg5[%dma_wait3A_262, %dma_wait3A_263] : memref<500000x128xf32, #tpu.memory_space<hbm>> -> memref<500000x128xf32, #tpu.memory_space<hbm>>
    tpu.wait_indirect_dma semaphore(%arg12 : memref<!tpu.dma_semaphore, #tpu.memory_space<semaphore_mem>>) src(%dma_wait3A_264 : memref<500000x128xf32, #tpu.memory_space<hbm>>) dst(%dma_wait3A_258 : memref<128x128xf32, #tpu.memory_space<vmem>>)
    %dma_wait3A_265 = arith.constant 128 : i32
    %dma_wait3A_266 = arith.constant 0 : i32
    %dma_wait3A_267 = tpu.memref_slice %arg10[%dma_wait3A_265, %dma_wait3A_266] : memref<256x128xf32, #tpu.memory_space<vmem>> -> memref<128x128xf32, #tpu.memory_space<vmem>>
    %dma_wait3A_268 = arith.constant 0 : i32
    %dma_wait3A_269 = tpu.memref_slice %arg8[%add3A_228, %dma_wait3A_268] : memref<8x128xi32, #tpu.memory_space<vmem>> -> memref<1x128xi32, #tpu.memory_space<vmem>>
    %dma_wait3A_270 = tpu.memref_squeeze %dma_wait3A_269 : memref<1x128xi32, #tpu.memory_space<vmem>> -> memref<128xi32, #tpu.memory_space<vmem>>
    %dma_wait3A_271 = arith.constant 0 : i32
    %dma_wait3A_272 = arith.constant 0 : i32
    %dma_wait3A_273 = tpu.memref_slice %arg4[%dma_wait3A_271, %dma_wait3A_272] : memref<500000x128xf32, #tpu.memory_space<hbm>> -> memref<500000x128xf32, #tpu.memory_space<hbm>>
    tpu.wait_indirect_dma semaphore(%arg12 : memref<!tpu.dma_semaphore, #tpu.memory_space<semaphore_mem>>) src(%dma_wait3A_273 : memref<500000x128xf32, #tpu.memory_space<hbm>>) dst(%dma_wait3A_267 : memref<128x128xf32, #tpu.memory_space<vmem>>)
    %dma_wait3A_274 = arith.constant 128 : i32
    %dma_wait3A_275 = arith.constant 0 : i32
    %dma_wait3A_276 = tpu.memref_slice %arg11[%dma_wait3A_274, %dma_wait3A_275] : memref<256x128xf32, #tpu.memory_space<vmem>> -> memref<128x128xf32, #tpu.memory_space<vmem>>
    %dma_wait3A_277 = arith.constant 0 : i32
    %dma_wait3A_278 = tpu.memref_slice %arg9[%add3A_228, %dma_wait3A_277] : memref<8x128xi32, #tpu.memory_space<vmem>> -> memref<1x128xi32, #tpu.memory_space<vmem>>
    %dma_wait3A_279 = tpu.memref_squeeze %dma_wait3A_278 : memref<1x128xi32, #tpu.memory_space<vmem>> -> memref<128xi32, #tpu.memory_space<vmem>>
    %dma_wait3A_280 = arith.constant 0 : i32
    %dma_wait3A_281 = arith.constant 0 : i32
    %dma_wait3A_282 = tpu.memref_slice %arg5[%dma_wait3A_280, %dma_wait3A_281] : memref<500000x128xf32, #tpu.memory_space<hbm>> -> memref<500000x128xf32, #tpu.memory_space<hbm>>
    tpu.wait_indirect_dma semaphore(%arg12 : memref<!tpu.dma_semaphore, #tpu.memory_space<semaphore_mem>>) src(%dma_wait3A_282 : memref<500000x128xf32, #tpu.memory_space<hbm>>) dst(%dma_wait3A_276 : memref<128x128xf32, #tpu.memory_space<vmem>>)
    %add3A_283 = arith.constant 256 : i32
    %add3A_284 = arith.addi %mul3A_2, %add3A_283 : i32
    "tpu.region"() ({
      %run_scoped3A = tpu.sem_alloc : memref<!tpu.dma_semaphore, #tpu.memory_space<semaphore_mem>>
      %dma_start3A_287 = arith.constant 0 : i32
      %dma_start3A_288 = tpu.memref_slice %arg6[%add3A_284, %dma_start3A_287] : memref<16384x128xf32, #tpu.memory_space<hbm>> -> memref<256x128xf32, #tpu.memory_space<hbm>>
      %dma_start3A_289 = arith.constant 0 : i32
      %dma_start3A_290 = tpu.memref_slice %arg6[%add3A_284, %dma_start3A_289] : memref<16384x128xf32, #tpu.memory_space<hbm>> -> memref<256x128xf32, #tpu.memory_space<hbm>>
      tpu.enqueue_dma source(%arg10 : memref<256x128xf32, #tpu.memory_space<vmem>>) target(%dma_start3A_290 : memref<256x128xf32, #tpu.memory_space<hbm>>) target_semaphore(%run_scoped3A : memref<!tpu.dma_semaphore, #tpu.memory_space<semaphore_mem>>)
      %dma_wait3A_291 = arith.constant 0 : i32
      %dma_wait3A_292 = tpu.memref_slice %arg6[%add3A_284, %dma_wait3A_291] : memref<16384x128xf32, #tpu.memory_space<hbm>> -> memref<256x128xf32, #tpu.memory_space<hbm>>
      %dma_wait3A_293 = arith.constant 0 : i32
      %dma_wait3A_294 = tpu.memref_slice %arg6[%add3A_284, %dma_wait3A_293] : memref<16384x128xf32, #tpu.memory_space<hbm>> -> memref<256x128xf32, #tpu.memory_space<hbm>>
      tpu.wait_dma2 semaphore(%run_scoped3A : memref<!tpu.dma_semaphore, #tpu.memory_space<semaphore_mem>>) src(%arg10 : memref<256x128xf32, #tpu.memory_space<vmem>>) dst(%dma_wait3A_294 : memref<256x128xf32, #tpu.memory_space<hbm>>)
      tpu.yield
    }) : () -> ()
    %add3A_285 = arith.constant 256 : i32
    %add3A_286 = arith.addi %mul3A_2, %add3A_285 : i32
    "tpu.region"() ({
      %run_scoped3A = tpu.sem_alloc : memref<!tpu.dma_semaphore, #tpu.memory_space<semaphore_mem>>
      %dma_start3A_287 = arith.constant 0 : i32
      %dma_start3A_288 = tpu.memref_slice %arg7[%add3A_286, %dma_start3A_287] : memref<16384x128xf32, #tpu.memory_space<hbm>> -> memref<256x128xf32, #tpu.memory_space<hbm>>
      %dma_start3A_289 = arith.constant 0 : i32
      %dma_start3A_290 = tpu.memref_slice %arg7[%add3A_286, %dma_start3A_289] : memref<16384x128xf32, #tpu.memory_space<hbm>> -> memref<256x128xf32, #tpu.memory_space<hbm>>
      tpu.enqueue_dma source(%arg11 : memref<256x128xf32, #tpu.memory_space<vmem>>) target(%dma_start3A_290 : memref<256x128xf32, #tpu.memory_space<hbm>>) target_semaphore(%run_scoped3A : memref<!tpu.dma_semaphore, #tpu.memory_space<semaphore_mem>>)
      %dma_wait3A_291 = arith.constant 0 : i32
      %dma_wait3A_292 = tpu.memref_slice %arg7[%add3A_286, %dma_wait3A_291] : memref<16384x128xf32, #tpu.memory_space<hbm>> -> memref<256x128xf32, #tpu.memory_space<hbm>>
      %dma_wait3A_293 = arith.constant 0 : i32
      %dma_wait3A_294 = tpu.memref_slice %arg7[%add3A_286, %dma_wait3A_293] : memref<16384x128xf32, #tpu.memory_space<hbm>> -> memref<256x128xf32, #tpu.memory_space<hbm>>
      tpu.wait_dma2 semaphore(%run_scoped3A : memref<!tpu.dma_semaphore, #tpu.memory_space<semaphore_mem>>) src(%arg11 : memref<256x128xf32, #tpu.memory_space<vmem>>) dst(%dma_wait3A_294 : memref<256x128xf32, #tpu.memory_space<hbm>>)
      tpu.yield
    }) : () -> ()
    return
  }
}

module attributes {stable_mosaic.version = 14 : i64} {
  func.func @_mlp_body(%arg0: i32, %arg1: memref<2048x128xf32, #tpu.memory_space<vmem>>, %arg2: memref<2048x128xf32, #tpu.memory_space<vmem>>, %arg3: memref<2048x1xf32, #tpu.memory_space<vmem>>, %arg4: memref<2048x1xf32, #tpu.memory_space<vmem>>, %arg5: memref<64x128xf32, #tpu.memory_space<vmem>>, %arg6: memref<64x128xf32, #tpu.memory_space<vmem>>, %arg7: memref<1x128xf32, #tpu.memory_space<vmem>>, %arg8: memref<128x64xf32, #tpu.memory_space<vmem>>, %arg9: memref<1x64xf32, #tpu.memory_space<vmem>>, %arg10: memref<1x64xf32, #tpu.memory_space<vmem>>, %arg11: memref<1x1xf32, #tpu.memory_space<vmem>>, %arg12: memref<2048xf32, #tpu.memory_space<vmem>>) attributes {dimension_semantics = [#tpu.dimension_semantics<arbitrary>], iteration_bounds = array<i64: 8>, scalar_prefetch = 0 : i64, scratch_operands = 0 : i64, tpu.core_type = #tpu.core_type<tc>, window_params = [{transform_indices = @transform_0, window_bounds = array<i64: 2048, 128>}, {transform_indices = @transform_1, window_bounds = array<i64: 2048, 128>}, {transform_indices = @transform_2, window_bounds = array<i64: 2048, 1>}, {transform_indices = @transform_3, window_bounds = array<i64: 2048, 1>}, {pipeline_mode = #tpu.pipeline_mode<synchronous>, transform_indices = @transform_4, window_bounds = array<i64: 64, 128>}, {pipeline_mode = #tpu.pipeline_mode<synchronous>, transform_indices = @transform_5, window_bounds = array<i64: 64, 128>}, {pipeline_mode = #tpu.pipeline_mode<synchronous>, transform_indices = @transform_6, window_bounds = array<i64: 1, 128>}, {pipeline_mode = #tpu.pipeline_mode<synchronous>, transform_indices = @transform_7, window_bounds = array<i64: 128, 64>}, {pipeline_mode = #tpu.pipeline_mode<synchronous>, transform_indices = @transform_8, window_bounds = array<i64: 1, 64>}, {pipeline_mode = #tpu.pipeline_mode<synchronous>, transform_indices = @transform_9, window_bounds = array<i64: 1, 64>}, {pipeline_mode = #tpu.pipeline_mode<synchronous>, transform_indices = @transform_10, window_bounds = array<i64: 1, 1>}, {transform_indices = @transform_11, window_bounds = array<i64: 2048>}]} {
    %get3A = arith.constant 0 : index
    %get3A_0 = arith.constant 0 : index
    %get3A_1 = vector.load %arg1[%get3A, %get3A_0] : memref<2048x128xf32, #tpu.memory_space<vmem>>, vector<2048x128xf32>
    %get3A_2 = arith.constant 0 : index
    %get3A_3 = arith.constant 0 : index
    %get3A_4 = vector.load %arg2[%get3A_2, %get3A_3] : memref<2048x128xf32, #tpu.memory_space<vmem>>, vector<2048x128xf32>
    %get3A_5 = arith.constant 0 : index
    %get3A_6 = arith.constant 0 : index
    %get3A_7 = vector.load %arg3[%get3A_5, %get3A_6] : memref<2048x1xf32, #tpu.memory_space<vmem>>, vector<2048x1xf32>
    %get3A_8 = arith.constant 0 : index
    %get3A_9 = arith.constant 0 : index
    %get3A_10 = vector.load %arg4[%get3A_8, %get3A_9] : memref<2048x1xf32, #tpu.memory_space<vmem>>, vector<2048x1xf32>
    %slice3A = vector.extract_strided_slice %get3A_1 {offsets = [0, 0], sizes = [2048, 64], strides = [1, 1]} : vector<2048x128xf32> to vector<2048x64xf32>
    %slice3A_11 = vector.extract_strided_slice %get3A_1 {offsets = [0, 64], sizes = [2048, 64], strides = [1, 1]} : vector<2048x128xf32> to vector<2048x64xf32>
    %slice3A_12 = vector.extract_strided_slice %get3A_1 {offsets = [0, 0], sizes = [2048, 64], strides = [1, 1]} : vector<2048x128xf32> to vector<2048x64xf32>
    %sub3A = arith.subf %slice3A_11, %slice3A_12 : vector<2048x64xf32>
    %mul3A = vector.broadcast %get3A_7 : vector<2048x1xf32> to vector<2048x64xf32>
    %mul3A_13 = arith.mulf %mul3A, %sub3A : vector<2048x64xf32>
    %add3A = arith.addf %slice3A, %mul3A_13 : vector<2048x64xf32>
    %slice3A_14 = vector.extract_strided_slice %get3A_4 {offsets = [0, 0], sizes = [2048, 64], strides = [1, 1]} : vector<2048x128xf32> to vector<2048x64xf32>
    %slice3A_15 = vector.extract_strided_slice %get3A_4 {offsets = [0, 64], sizes = [2048, 64], strides = [1, 1]} : vector<2048x128xf32> to vector<2048x64xf32>
    %slice3A_16 = vector.extract_strided_slice %get3A_4 {offsets = [0, 0], sizes = [2048, 64], strides = [1, 1]} : vector<2048x128xf32> to vector<2048x64xf32>
    %sub3A_17 = arith.subf %slice3A_15, %slice3A_16 : vector<2048x64xf32>
    %mul3A_18 = vector.broadcast %get3A_10 : vector<2048x1xf32> to vector<2048x64xf32>
    %mul3A_19 = arith.mulf %mul3A_18, %sub3A_17 : vector<2048x64xf32>
    %add3A_20 = arith.addf %slice3A_14, %mul3A_19 : vector<2048x64xf32>
    %get3A_21 = arith.constant 0 : index
    %get3A_22 = arith.constant 0 : index
    %get3A_23 = vector.load %arg5[%get3A_21, %get3A_22] : memref<64x128xf32, #tpu.memory_space<vmem>>, vector<64x128xf32>
    %dot_general3A = arith.constant dense<0.000000e+00> : vector<2048x128xf32>
    %dot_general3A_24 = tpu.matmul %add3A, %get3A_23, %dot_general3A {dimension_numbers = #tpu.dot_dimension_numbers<[1], [0], [0], [1], [0, 0, 1, 1], [], []>, transpose_lhs_hint = false} : vector<2048x64xf32>, vector<64x128xf32>, vector<2048x128xf32> -> vector<2048x128xf32>
    %get3A_25 = arith.constant 0 : index
    %get3A_26 = arith.constant 0 : index
    %get3A_27 = vector.load %arg6[%get3A_25, %get3A_26] : memref<64x128xf32, #tpu.memory_space<vmem>>, vector<64x128xf32>
    %dot_general3A_28 = arith.constant dense<0.000000e+00> : vector<2048x128xf32>
    %dot_general3A_29 = tpu.matmul %add3A_20, %get3A_27, %dot_general3A_28 {dimension_numbers = #tpu.dot_dimension_numbers<[1], [0], [0], [1], [0, 0, 1, 1], [], []>, transpose_lhs_hint = false} : vector<2048x64xf32>, vector<64x128xf32>, vector<2048x128xf32> -> vector<2048x128xf32>
    %add3A_30 = arith.addf %dot_general3A_24, %dot_general3A_29 : vector<2048x128xf32>
    %get3A_31 = arith.constant 0 : index
    %get3A_32 = arith.constant 0 : index
    %get3A_33 = vector.load %arg7[%get3A_31, %get3A_32] : memref<1x128xf32, #tpu.memory_space<vmem>>, vector<1x128xf32>
    %add3A_34 = vector.broadcast %get3A_33 : vector<1x128xf32> to vector<2048x128xf32>
    %add3A_35 = arith.addf %add3A_30, %add3A_34 : vector<2048x128xf32>
    %max3A = arith.constant 0.000000e+00 : f32
    %max3A_36 = vector.broadcast %max3A : f32 to vector<2048x128xf32>
    %max3A_37 = arith.maximumf %add3A_35, %max3A_36 : vector<2048x128xf32>
    %get3A_38 = arith.constant 0 : index
    %get3A_39 = arith.constant 0 : index
    %get3A_40 = vector.load %arg8[%get3A_38, %get3A_39] : memref<128x64xf32, #tpu.memory_space<vmem>>, vector<128x64xf32>
    %dot_general3A_41 = arith.constant dense<0.000000e+00> : vector<2048x64xf32>
    %dot_general3A_42 = tpu.matmul %max3A_37, %get3A_40, %dot_general3A_41 {dimension_numbers = #tpu.dot_dimension_numbers<[1], [0], [0], [1], [0, 0, 1, 1], [], []>, transpose_lhs_hint = false} : vector<2048x128xf32>, vector<128x64xf32>, vector<2048x64xf32> -> vector<2048x64xf32>
    %get3A_43 = arith.constant 0 : index
    %get3A_44 = arith.constant 0 : index
    %get3A_45 = vector.load %arg9[%get3A_43, %get3A_44] : memref<1x64xf32, #tpu.memory_space<vmem>>, vector<1x64xf32>
    %add3A_46 = vector.broadcast %get3A_45 : vector<1x64xf32> to vector<2048x64xf32>
    %add3A_47 = arith.addf %dot_general3A_42, %add3A_46 : vector<2048x64xf32>
    %max3A_48 = arith.constant 0.000000e+00 : f32
    %max3A_49 = vector.broadcast %max3A_48 : f32 to vector<2048x64xf32>
    %max3A_50 = arith.maximumf %add3A_47, %max3A_49 : vector<2048x64xf32>
    %get3A_51 = arith.constant 0 : index
    %get3A_52 = arith.constant 0 : index
    %get3A_53 = vector.load %arg10[%get3A_51, %get3A_52] : memref<1x64xf32, #tpu.memory_space<vmem>>, vector<1x64xf32>
    %mul3A_54 = vector.broadcast %get3A_53 : vector<1x64xf32> to vector<2048x64xf32>
    %mul3A_55 = arith.mulf %max3A_50, %mul3A_54 : vector<2048x64xf32>
    %reduce_sum3A = arith.constant dense<0.000000e+00> : vector<2048xf32>
    %reduce_sum3A_56 = vector.multi_reduction <add>, %mul3A_55, %reduce_sum3A [1] : vector<2048x64xf32> to vector<2048xf32>
    %get3A_57 = arith.constant 0 : index
    %get3A_58 = arith.constant 0 : index
    %get3A_59 = vector.load %arg11[%get3A_57, %get3A_58] : memref<1x1xf32, #tpu.memory_space<vmem>>, vector<1x1xf32>
    %get3A_60 = vector.extract %get3A_59[0, 0] : f32 from vector<1x1xf32>
    %add3A_61 = vector.broadcast %get3A_60 : f32 to vector<2048xf32>
    %add3A_62 = arith.addf %reduce_sum3A_56, %add3A_61 : vector<2048xf32>
    %swap3A = arith.constant 0 : index
    %swap3A_63 = vector.load %arg12[%swap3A] : memref<2048xf32, #tpu.memory_space<vmem>>, vector<2048xf32>
    tpu.vector_store %arg12[%swap3A], %add3A_62 {strides = array<i32>} : memref<2048xf32, #tpu.memory_space<vmem>>, vector<2048xf32>,
    return
  }
  func.func @transform_0(%arg0: i32) -> (i32, i32) {
    %c0_i32 = arith.constant 0 : i32
    %c0_i32_0 = arith.constant 0 : i32
    return %arg0, %c0_i32 : i32, i32
  }
  func.func @transform_1(%arg0: i32) -> (i32, i32) {
    %c0_i32 = arith.constant 0 : i32
    %c0_i32_0 = arith.constant 0 : i32
    return %arg0, %c0_i32 : i32, i32
  }
  func.func @transform_2(%arg0: i32) -> (i32, i32) {
    %c0_i32 = arith.constant 0 : i32
    %c0_i32_0 = arith.constant 0 : i32
    return %arg0, %c0_i32 : i32, i32
  }
  func.func @transform_3(%arg0: i32) -> (i32, i32) {
    %c0_i32 = arith.constant 0 : i32
    %c0_i32_0 = arith.constant 0 : i32
    return %arg0, %c0_i32 : i32, i32
  }
  func.func @transform_4(%arg0: i32) -> (i32, i32) {
    %c0_i32 = arith.constant 0 : i32
    %c0_i32_0 = arith.constant 0 : i32
    %c0_i32_1 = arith.constant 0 : i32
    return %c0_i32, %c0_i32_0 : i32, i32
  }
  func.func @transform_5(%arg0: i32) -> (i32, i32) {
    %c0_i32 = arith.constant 0 : i32
    %c0_i32_0 = arith.constant 0 : i32
    %c0_i32_1 = arith.constant 0 : i32
    return %c0_i32, %c0_i32_0 : i32, i32
  }
  func.func @transform_6(%arg0: i32) -> (i32, i32) {
    %c0_i32 = arith.constant 0 : i32
    %c0_i32_0 = arith.constant 0 : i32
    %c0_i32_1 = arith.constant 0 : i32
    return %c0_i32, %c0_i32_0 : i32, i32
  }
  func.func @transform_7(%arg0: i32) -> (i32, i32) {
    %c0_i32 = arith.constant 0 : i32
    %c0_i32_0 = arith.constant 0 : i32
    %c0_i32_1 = arith.constant 0 : i32
    return %c0_i32, %c0_i32_0 : i32, i32
  }
  func.func @transform_8(%arg0: i32) -> (i32, i32) {
    %c0_i32 = arith.constant 0 : i32
    %c0_i32_0 = arith.constant 0 : i32
    %c0_i32_1 = arith.constant 0 : i32
    return %c0_i32, %c0_i32_0 : i32, i32
  }
  func.func @transform_9(%arg0: i32) -> (i32, i32) {
    %c0_i32 = arith.constant 0 : i32
    %c0_i32_0 = arith.constant 0 : i32
    %c0_i32_1 = arith.constant 0 : i32
    return %c0_i32, %c0_i32_0 : i32, i32
  }
  func.func @transform_10(%arg0: i32) -> (i32, i32) {
    %c0_i32 = arith.constant 0 : i32
    %c0_i32_0 = arith.constant 0 : i32
    %c0_i32_1 = arith.constant 0 : i32
    return %c0_i32, %c0_i32_0 : i32, i32
  }
  func.func @transform_11(%arg0: i32) -> i32 {
    %c0_i32 = arith.constant 0 : i32
    return %arg0 : i32
  }
}

</mosaic_0001>

<sc_bundles>
// kernel: kernel.4.cloned.1.call-start
scs
__scs_entry_jumppad:
0x0: {  	(pc) =	sbr.rel $0x88, $3  }
0x1: {  	(tag) =	ssettag $0x0;
	lr =	simm.s32 $0x1  }
0x2: {  	[smem:$0x3F97] =	sst lr;
	_ =	strace $0xD0000000  }
0x3: {  	_ = 	snop  }
0x4: {  	_ = 	snop  }
0x5: {  	_ = 	snop  }
0x6: {  	_ = 	snop  }
0x7: {  	_ = 	snop  }
__scs_overlays_trampoline_lowered:
0x8: {  	[smem:$0x3FA6] =	sst s0  }
0x9: {  	[smem:$0x3FA7] =	sst s1  }
0xa: {  	[smem:$0x3FA8] =	sst s2  }
0xb: {  	[smem:$0x3FA9] =	sst s3  }
0xc: {  	[smem:$0x3FAA] =	sst s4  }
0xd: {  	[smem:$0x3FAB] =	sst s5  }
0xe: {  	[smem:$0x3FAC] =	sst s6  }
0xf: {  	[smem:$0x3FAD] =	sst s7  }
0x10: {  	[smem:$0x3FAE] =	sst s8  }
0x11: {  	[smem:$0x3FAF] =	sst s9;
	s0 =	simm.s32 @!p0 $0x0  }
0x12: {  	s1 =	sld [smem:$0x3F95];
	s0 =	simm.s32 @p0 $0x1  }
0x13: {  	[smem:$0x3FB0] =	sst s0;
	s0 =	simm.s32 @!p1 $0x0  }
0x14: {  	s2 =	sld [smem:$0x3F94];
	s0 =	simm.s32 @p1 $0x1  }
0x15: {  	[smem:$0x3FB1] =	sst s0;
	s0 =	simm.s32 @!p2 $0x0  }
0x16: {  	s3 =	sld [smem:$0x3FDB];
	s0 =	simm.s32 @p2 $0x1  }
0x17: {  	s4 =	simm.s32 $0x1BF5;
	[smem:$0x3FB3] =	sst s0  }
0x18: {  	s0 =	sld [smem:$0x3F96];
	_ =	swait.ge [sflag:s4], $0x0  }
0x19: {  	s7 =	sld [smem:$0x3F97]  }
0x1a: {  	s8 =	sadd.s32 $0xFFFFE003, lr  }
0x1b: {  	s9 =	sadd.s32 $0xFFFFFEF7, lr;
	s5 =	simm.s32 $0xFFFFFFFF;
	p2 =	slt.u32 s8, $0xFFFFF086  }
0x1c: {  	p1 =	slt.u32 s9, $0xF7A;
	s5 =	simm.s32 @!p2 $0x0  }
0x1d: {  	s5 =	simm.s32 @p1 $0x1;
	p0 =	seq.s32 s7, s2  }
0x1e: {  	s7 =	smul.u32 @!p0 $0xF7A, s2;
	p2 =	seq.s32 @!p0 s5, $0x0  }
0x1f: {  	s9 =	smul.u32 $0xF7A, s1;
	s8 =	simm.s32 @!p0 $0x1BF5;
	p2 =	por !p2, p0  }
0x20: {  	[sflag:s8] =	ssyncset.s32 @!p0 $0xFFFFF086;
	s6 =	sadd.s32 @!p0 s3, s7;
	s7 =	simm.s32 @!p0 $0x108  }
0x21: {  	s3 =	sadd.s32 s3, s9;
	s6 =	sadd.s32 @!p0 $0x88, s6;
	s7 =	simm.s32 @p2 $0x1082  }
0x22: {  	[simem:s7], [sflag:s8] =	dma.local @!p0 [hbm:s6], $0xF7A  }
0x23: {  	s9 =	sor.u32 $0xD0000000, s2;
	s6 =	simm.s32 $0x108;
	_ =	swait.ge @!p0 [sflag:s8], $0x0  }
0x24: {  	s3 =	sadd.s32 $0x88, s3;
	s6 =	simm.s32 @!p1 $0x1082;
	[sflag:s4] =	ssyncset.s32 $0xFFFFF086  }
0x25: {  	[simem:s6], [sflag:s4] =	dma.local [hbm:s3], $0xF7A  }
0x26: {  	[smem:$0x3F97] =	sst s1;
	(tag) =	ssettag s2;
	_ =	strace s9  }
0x27: {  	s1 =	sld [smem:$0x3FA7]  }
0x28: {  	s2 =	sld [smem:$0x3FA8]  }
0x29: {  	s4 =	sld [smem:$0x3FAA]  }
0x2a: {  	p0 =	seq.s32 s5, $0x0;
	s5 =	sld [smem:$0x3FAB]  }
0x2b: {  	s6 =	sld [smem:$0x3FAC]  }
0x2c: {  	s7 =	sld [smem:$0x3FAD]  }
0x2d: {  	s3 =	simm.s32 $0x108;
	s8 =	sld [smem:$0x3FAE]  }
0x2e: {  	s3 =	simm.s32 @!p0 $0x1082;
	s9 =	sld [smem:$0x3FAF]  }
0x2f: {  	lr =	sadd.s32 s0, s3;
	s0 =	sld [smem:$0x3FA6]  }
0x30: {  	s3 =	sld [smem:$0x3FA9]  }
0x31: {  	[smem:$0x3FB2] =	sst s10  }
0x32: {  	s10 =	sld [smem:$0x3FB0];
	_ =	sdelay $0x3  }
0x33: {  	p0 =	seq.s32 s10, $0x1;
	s10 =	sld [smem:$0x3FB2];
	_ =	sdelay $0x3  }
0x34: {  	[smem:$0x3FB2] =	sst s10  }
0x35: {  	s10 =	sld [smem:$0x3FB1];
	_ =	sdelay $0x3  }
0x36: {  	p1 =	seq.s32 s10, $0x1;
	s10 =	sld [smem:$0x3FB2];
	_ =	sdelay $0x3  }
0x37: {  	[smem:$0x3FB2] =	sst s10  }
0x38: {  	s10 =	sld [smem:$0x3FB3]  }
0x39: {  	_ = 	snop;
	(pc) =	sbr.ind lr, $3  }
0x3a: {  	_ = 	snop  }
0x3b: {  	_ = 	snop  }
0x3c: {  	p2 =	seq.s32 s10, $0x1;
	s10 =	sld [smem:$0x3FB2]  }
0x3d: {  	_ =	shalt  }
0x3e: {  	_ =	shalt  }
0x3f: {  	_ =	shalt  }
0x40: {  	_ =	shalt  }
0x41: {  	_ =	shalt  }
0x42: {  	_ =	shalt  }
0x43: {  	_ =	shalt  }
0x44: {  	_ =	shalt  }
0x45: {  	_ =	shalt  }
0x46: {  	_ =	shalt  }
0x47: {  	_ =	shalt  }
0x48: {  	_ =	shalt  }
0x49: {  	_ =	shalt  }
0x4a: {  	_ =	shalt  }
0x4b: {  	_ =	shalt  }
0x4c: {  	_ =	shalt  }
0x4d: {  	_ =	shalt  }
0x4e: {  	_ =	shalt  }
0x4f: {  	_ =	shalt  }
0x50: {  	_ =	shalt  }
0x51: {  	_ =	shalt  }
0x52: {  	_ =	shalt  }
0x53: {  	_ =	shalt  }
0x54: {  	_ =	shalt  }
0x55: {  	_ =	shalt  }
0x56: {  	_ =	shalt  }
0x57: {  	_ =	shalt  }
0x58: {  	_ =	shalt  }
0x59: {  	_ =	shalt  }
0x5a: {  	_ =	shalt  }
0x5b: {  	_ =	shalt  }
0x5c: {  	_ =	shalt  }
0x5d: {  	_ =	shalt  }
0x5e: {  	_ =	shalt  }
0x5f: {  	_ =	shalt  }
0x60: {  	_ =	shalt  }
0x61: {  	_ =	shalt  }
0x62: {  	_ =	shalt  }
0x63: {  	_ =	shalt  }
0x64: {  	_ =	shalt  }
0x65: {  	_ =	shalt  }
0x66: {  	_ =	shalt  }
0x67: {  	_ =	shalt  }
0x68: {  	_ =	shalt  }
0x69: {  	_ =	shalt  }
0x6a: {  	_ =	shalt  }
0x6b: {  	_ =	shalt  }
0x6c: {  	_ =	shalt  }
0x6d: {  	_ =	shalt  }
0x6e: {  	_ =	shalt  }
0x6f: {  	_ =	shalt  }
0x70: {  	_ =	shalt  }
0x71: {  	_ =	shalt  }
0x72: {  	_ =	shalt  }
0x73: {  	_ =	shalt  }
0x74: {  	_ =	shalt  }
0x75: {  	_ =	shalt  }
0x76: {  	_ =	shalt  }
0x77: {  	_ =	shalt  }
0x78: {  	_ =	shalt  }
0x79: {  	_ =	shalt  }
0x7a: {  	_ =	shalt  }
0x7b: {  	_ =	shalt  }
0x7c: {  	_ =	shalt  }
0x7d: {  	_ =	shalt  }
0x7e: {  	_ =	shalt  }
0x7f: {  	_ =	shalt  }
0x80: {  	_ =	shalt  }
0x81: {  	_ =	shalt  }
0x82: {  	_ =	shalt  }
0x83: {  	_ =	shalt  }
0x84: {  	_ =	shalt  }
0x85: {  	_ =	shalt  }
0x86: {  	_ =	shalt  }
0x87: {  	_ =	shalt  }
.Lfunc_end0:
.L_simem_size_0:
called_computation_lowered:
.L_overlay_start_0:
0x88: {  	s2 =	sld [smem:$0x3FD9]  }
0x89: {  	s3 =	sld [smem:$0x3FFE];
	_ =	sdelay $0x1  }
0x8a: {  	s1 =	srdreg.scid  }
0x8b: {  	s0 =	sand.u32 $0x1, s1  }
0x8c: {  	s16 =	sshll.u32 s0, $0xA;
	s2 =	sadd.s32 s3, s2  }
0x8d: {  	s2 =	sadd.s32 s2, s16  }
0x8e: {  	[smem:$0x3FBE] =	sst s2  }
0x8f: {  	_ = 	snop  }
0x90: {  	(tm) =	ssettm $0x1  }
0x91: {  	s17 =	sld [smem:$0x3FFB];
	_ =	sdelay $0x3  }
0x92: {  	_ =	strace s17  }
0x93: {  	s2 =	sld [smem:$0x3FFC];
	_ =	sdelay $0x3  }
0x94: {  	_ =	strace s2  }
0x95: {  	s2 =	sld [smem:$0x3FFD];
	_ =	sdelay $0x3  }
0x96: {  	_ =	strace s2  }
0x97: {  	_ =	strace $0x8FFFFFFF  }
0x98: {  	s18 =	sld [smem:$0x3FDB];
	_ =	sdelay $0x1  }
0x99: {  	s19 =	simm.s32 $_scs_section_size  }
0x9a: {  	s4 =	simm.s32 $_size__tile_overlayer_lowered;
	s5 =	simm.s32 $_tile_overlayer_lowered  }
0x9b: {  	s22 =	simm.s32 $0x1BFF;
	s21 =	sshll.u32 s5, $0x1;
	s2 =	sadd.s32 s19, s18  }
0x9c: {  	s6 =	simm.s32 $0x0;
	s20 =	sshll.u32 s4, $0x1;
	s4 =	sadd.s32 s21, s2  }
0x9d: {  	[timem:s6], [sflag:s22] =	dma.local [hbm:s4], s20  }
0x9e: {  	_ =	swait.ge [sflag:s22], s20  }
0x9f: {  	s3 =	ssub.s32 $0x0, s20;
	[sflag:s22] =	ssyncset.done $0x0  }
0xa0: {  	[sflag:s22] =	ssyncadd.s32 s3;
	_ =	sdelay $0x1  }
0xa1: {  	s23 =	simm.s32 $0x1B8B  }
0xa2: {  	_ =	swait.ge [sflag:s23], $0x1  }
0xa3: {  	[sflag:s23] =	ssyncset.done $0x0  }
0xa4: {  	s25 =	simm.s32 $0x1B8E;
	s24 =	sld [smem:$0x3FFE];
	[sflag:s23] =	ssyncadd.s32 $0xFFFFFFFF  }
0xa5: {  	s26 =	simm.s32 $execute0_lowered;
	[smem:$0x3FD2] =	sst s25  }
0xa6: {  	s4 =	sshll.u32 s26, $0x1;
	_ =	strace $0x80000046;
	[dreg:$0x1] =	wrdreg $0xFFFFFFFF  }
0xa7: {  	s28 =	simm.s32 $_size_execute0_lowered;
	s2 =	sadd.s32 s2, s4;
	[dreg:$0x0] =	wrdreg $0x0  }
0xa8: {  	s4 =	sshll.u32 s28, $0x1;
	[dreg:$0x2] =	wrdreg s2  }
0xa9: {  	[dreg:$0x3] =	wrdreg s4  }
0xaa: {  	[dreg:$0x4] =	wrdreg $0xC0  }
0xab: {  	_ =	task [dreg:s6], $0x5FFFF  }
0xac: {  	[dreg:$0x1] =	wrdreg $0xFFFFFFFF  }
0xad: {  	[dreg:$0x0] =	wrdreg $0x60  }
0xae: {  	[dreg:$0x2] =	wrdreg s24  }
0xaf: {  	[dreg:$0x3] =	wrdreg $0x9  }
0xb0: {  	_ =	task.clear_ibuf [dreg:s6], $0x4FFFF;
	_ =	strace $0x90000046  }
0xb1: {  	s29 =	simm.s32 $0x9;
	_ =	strace $0x80000048  }
0xb2: {  	_ =	swait.ge [sflag:s29], $0x1  }
0xb3: {  	[sflag:s29] =	ssyncadd.s32 $0xFFFFFFFF  }
0xb4: {  	_ =	strace $0x90000048  }
0xb5: {  	_ =	sfence  }
0xb6: {  	s30 =	sld [smem:$0x0];
	_ =	sdelay $0x2  }
0xb7: {  	s31 =	sshll.u32 s1, $0xD;
	s1 =	sshrl.u32 s1, $0x2  }
0xb8: {  	s3 =	sand.u32 $0x4000, s31;
	s1 =	sadd.s32 s1, s30  }
0xb9: {  	s0 =	sor.u32 s3, s0;
	s1 =	sshll.u32 s1, $0x11  }
0xba: {  	s0 =	sor.u32 s1, s0  }
0xbb: {  	s0 =	sadd.s32 $0x8F2B, s0  }
0xbc: {  	[sflag:s0] =	ssyncadd.remote.s32 $0x1  }
0xbd: {  	_ =	sfence.sel $0xFFFF  }
0xbe: {  	[dreg:$0x0] =	wrdreg $0xFFFFFFFF;
	(pc) =	sbr.abs _section_cstart, $3  }
0xbf: {  	[dreg:$0x1] =	wrdreg $0xFFFFFFFF  }
0xc0: {  	_ =	task.clear_ibuf [dreg:s6], $0x2FFFF;
	_ =	strace $0x9FFFFFFF  }
0xc1: {  	(tm) =	ssettm $0x7FFFFFFF  }
tec
execute0_lowered:
.L_overlay_start_1:
0x0: {  	(tag) =	ssettag $0x1  }
0x1: {  	s1 =	srdreg.scid;
	s0 =	stileid.u32  }
0x2: {  	s25 =	sand.u32 $0x1, s1;
	s30 =	sshll.u32 s0, $0x1  }
0x3: {  	s19 =	sor.u32 s25, s30  }
0x4: {  	p1 =	seq.s32 s25, $0x1;
	p0 =	seq.s32 s19, $0x0  }
0x5: {  	p0 =	por !p0, !p1  }
0x6: {  	s1 =	simm.s32 $0x1;
	p0 =	por !p0, !p0  }
0x7: {  	s1 =	simm.s32 @!p0 $0x0  }
0x8: {  	s1 =	ssub.s32 s0, s1  }
0x9: {  	s20 =	rddreg [dreg:$0x0];
	s2 =	simm.s32 $0x0;
	s3 =	sshll.u32 s1, $0x7  }
0xa: {  	[smem:$0x7FF] =	sst s2;
	s3 =	sand.u32 $0x1FFFFF80, s3  }
0xb: {  	s1 =	rddreg [dreg:$0x1];
	s5 =	sadd.s32 s3, s20  }
0xc: {  	_ =	strace $0x80000047;
	s3 =	simm.s32 $0x2;
	s4 =	sadd.s32 $0x3200, s5  }
0xd: {  	[tilespmem:s2], [sflag:$0x2] =	stream.linear.gather [hbm4b:s4+s2], $0x400, $0x38;
	[tilespmem:$0x10800] =	vst v63  }
0xe: {  	_ =	swait.ge [sflag:s3], $0x400  }
0xf: {  	[sflag:s3] =	ssyncset.done $0x0  }
0x10: {  	s6 =	simm.s32 $0x400;
	s5 =	sadd.s32 $0x2A00, s5;
	[sflag:s3] =	ssyncadd.s32 $0xFFFFFC00  }
0x11: {  	[tilespmem:s6], [sflag:$0x2] =	stream.linear.gather [hbm4b:s5+s2], $0x400, $0x38;
	[tilespmem:$0x10800] =	vst v63  }
0x12: {  	_ =	swait.ge [sflag:s3], $0x400  }
0x13: {  	s9 =	simm.s32 $0x80;
	s10 =	simm.s32 $0x800;
	[sflag:s3] =	ssyncset.done $0x0  }
0x14: {  	s7 =	sadd.s32 $0xF44600, s20;
	s8 =	sshll.u32 s25, $0x9;
	[sflag:s3] =	ssyncadd.s32 $0xFFFFFC00  }
0x15: {  	[tilespmem:s10], [sflag:$0x1] =	stream.indirect.gather [hbm4b:s7+s9], $0x80, s8, s9, $0xb8;
	[tilespmem:$0x10800] =	vst v63  }
0x16: {  	s13 =	simm.s32 $0x8800;
	s11 =	sadd.s32 $0x16E5800, s20;
	s12 =	sor.u32 $0x400, s8  }
0x17: {  	[tilespmem:s13], [sflag:$0x1] =	stream.indirect.gather [hbm4b:s11+s9], $0x80, s12, s9, $0xb8;
	[tilespmem:$0x10800] =	vst v63  }
0x18: {  	s15 =	simm.s32 $0x4800;
	s14 =	sor.u32 $0x80, s8  }
0x19: {  	[tilespmem:s15], [sflag:$0x1] =	stream.indirect.gather [hbm4b:s7+s9], $0x80, s14, s9, $0xb8;
	[tilespmem:$0x10800] =	vst v63  }
0x1a: {  	s16 =	simm.s32 $0x1;
	s18 =	simm.s32 $0xC800;
	s17 =	sor.u32 $0x480, s8  }
0x1b: {  	[tilespmem:s18], [sflag:$0x1] =	stream.indirect.gather [hbm4b:s11+s9], $0x80, s17, s9, $0xb8;
	[tilespmem:$0x10800] =	vst v63  }
0x1c: {  	_ =	swait.ge [sflag:s16], $0x4000  }
0x1d: {  	[sflag:s16] =	ssyncset.done $0x0  }
0x1e: {  	[sflag:s16] =	ssyncadd.s32 $0xFFFFC000  }
0x1f: {  	_ =	swait.ge [sflag:s16], $0x4000  }
0x20: {  	[sflag:s16] =	ssyncset.done $0x0  }
0x21: {  	[sflag:s16] =	ssyncadd.s32 $0xFFFFC000  }
0x22: {  	_ =	swait.ge [sflag:s16], $0x4000  }
0x23: {  	[sflag:s16] =	ssyncset.done $0x0  }
0x24: {  	[sflag:s16] =	ssyncadd.s32 $0xFFFFC000  }
0x25: {  	_ =	swait.ge [sflag:s16], $0x4000  }
0x26: {  	s26 =	sadd.s32 $0x3A00, s20;
	s28 =	sshll.u32 s19, $0xD;
	[sflag:s16] =	ssyncset.done $0x0  }
0x27: {  	s19 =	sadd.s32 s26, s28;
	[sflag:s16] =	ssyncadd.s32 $0xFFFFC000  }
0x28: {  	[hbm4b:s19+s2] =	stream.linear.scatter [tilespmem:s10], [sflag:$0x2], $0x8000, $0x38;
	[tilespmem:$0x10800] =	vst v63  }
0x29: {  	_ =	swait.ge [sflag:s3], $0x8000  }
0x2a: {  	s29 =	sadd.s32 $0x43A00, s20;
	[sflag:s3] =	ssyncset.done $0x0  }
0x2b: {  	s20 =	sadd.s32 s29, s28;
	[sflag:s3] =	ssyncadd.s32 $0xFFFF8000  }
0x2c: {  	[hbm4b:s20+s2] =	stream.linear.scatter [tilespmem:s13], [sflag:$0x2], $0x8000, $0x38;
	[tilespmem:$0x10800] =	vst v63  }
0x2d: {  	_ =	swait.ge [sflag:s3], $0x8000  }
0x2e: {  	[sflag:s3] =	ssyncset.done $0x0  }
0x2f: {  	s21 =	sor.u32 $0x100, s8;
	[sflag:s3] =	ssyncadd.s32 $0xFFFF8000  }
0x30: {  	[tilespmem:s10], [sflag:$0x1] =	stream.indirect.gather [hbm4b:s7+s9], $0x80, s21, s9, $0xb8;
	[tilespmem:$0x10800] =	vst v63  }
0x31: {  	s22 =	sor.u32 $0x500, s8  }
0x32: {  	[tilespmem:s13], [sflag:$0x1] =	stream.indirect.gather [hbm4b:s11+s9], $0x80, s22, s9, $0xb8;
	[tilespmem:$0x10800] =	vst v63  }
0x33: {  	s23 =	sor.u32 $0x180, s8  }
0x34: {  	[tilespmem:s15], [sflag:$0x1] =	stream.indirect.gather [hbm4b:s7+s9], $0x80, s23, s9, $0xb8;
	[tilespmem:$0x10800] =	vst v63  }
0x35: {  	s24 =	sor.u32 $0x580, s8  }
0x36: {  	[tilespmem:s18], [sflag:$0x1] =	stream.indirect.gather [hbm4b:s11+s9], $0x80, s24, s9, $0xb8;
	[tilespmem:$0x10800] =	vst v63  }
0x37: {  	_ =	swait.ge [sflag:s16], $0x4000  }
0x38: {  	[sflag:s16] =	ssyncset.done $0x0  }
0x39: {  	[sflag:s16] =	ssyncadd.s32 $0xFFFFC000  }
0x3a: {  	_ =	swait.ge [sflag:s16], $0x4000  }
0x3b: {  	[sflag:s16] =	ssyncset.done $0x0  }
0x3c: {  	[sflag:s16] =	ssyncadd.s32 $0xFFFFC000  }
0x3d: {  	_ =	swait.ge [sflag:s16], $0x4000  }
0x3e: {  	[sflag:s16] =	ssyncset.done $0x0  }
0x3f: {  	s30 =	ssub.s32 $0x2, s25;
	[sflag:s16] =	ssyncadd.s32 $0xFFFFC000  }
0x40: {  	s31 =	sshrl.u32 s30, $0x1;
	s28 =	sor.u32 $0x1000, s28;
	_ =	swait.ge [sflag:s16], $0x4000  }
0x41: {  	s30 =	ssub.s32 s30, s31;
	s25 =	sadd.s32 s26, s28;
	[sflag:s16] =	ssyncset.done $0x0  }
0x42: {  	s26 =	sadd.s32 s29, s28;
	s28 =	smax.u32 s30, $0x1;
	[sflag:s16] =	ssyncadd.s32 $0xFFFFC000  }
0x43: {  	[hbm4b:s25+s2] =	stream.linear.scatter [tilespmem:s10], [sflag:$0x2], $0x8000, $0x38;
	[tilespmem:$0x10800] =	vst v63  }
0x44: {  	p0 =	sne.s32 s28, $0x1;
	_ =	swait.ge [sflag:s3], $0x8000  }
.Ltmp0:
0x45: {  	[sflag:s3] =	ssyncset.done $0x0;
	(pc) =	sbr.rel @!p0 .LBB2_2-.Ltmp0, $4  }
0x46: {  	[sflag:s3] =	ssyncadd.s32 $0xFFFF8000  }
0x47: {  	[hbm4b:s26+s2] =	stream.linear.scatter [tilespmem:s13], [sflag:$0x2], $0x8000, $0x38;
	[tilespmem:$0x10800] =	vst v63  }
0x48: {  	_ =	swait.ge [sflag:s3], $0x8000  }
0x49: {  	s28 =	sadd.s32 $0xFFFFFFFF, s28;
	[sflag:s3] =	ssyncset.done $0x0  }
.LBB2_1:
0x4a: {  	p0 =	sne.s32 s28, $0x1;
	s28 =	sadd.s32 $0xFFFFFFFF, s28;
	[sflag:s3] =	ssyncadd.s32 $0xFFFF8000  }
0x4b: {  	[tilespmem:s2], [sflag:$0x2] =	stream.linear.gather [hbm4b:s4+s2], $0x400, $0x38;
	[tilespmem:$0x10800] =	vst v63  }
0x4c: {  	_ =	swait.ge [sflag:s3], $0x400  }
0x4d: {  	[sflag:s3] =	ssyncset.done $0x0  }
0x4e: {  	[sflag:s3] =	ssyncadd.s32 $0xFFFFFC00  }
0x4f: {  	[tilespmem:s6], [sflag:$0x2] =	stream.linear.gather [hbm4b:s5+s2], $0x400, $0x38;
	[tilespmem:$0x10800] =	vst v63  }
0x50: {  	_ =	swait.ge [sflag:s3], $0x400  }
0x51: {  	[sflag:s3] =	ssyncset.done $0x0  }
0x52: {  	[sflag:s3] =	ssyncadd.s32 $0xFFFFFC00  }
0x53: {  	[tilespmem:s10], [sflag:$0x1] =	stream.indirect.gather [hbm4b:s7+s9], $0x80, s8, s9, $0xb8;
	[tilespmem:$0x10800] =	vst v63  }
0x54: {  	_ = 	snop  }
0x55: {  	[tilespmem:s13], [sflag:$0x1] =	stream.indirect.gather [hbm4b:s11+s9], $0x80, s12, s9, $0xb8;
	[tilespmem:$0x10800] =	vst v63  }
0x56: {  	_ = 	snop  }
0x57: {  	[tilespmem:s15], [sflag:$0x1] =	stream.indirect.gather [hbm4b:s7+s9], $0x80, s14, s9, $0xb8;
	[tilespmem:$0x10800] =	vst v63  }
0x58: {  	_ = 	snop  }
0x59: {  	[tilespmem:s18], [sflag:$0x1] =	stream.indirect.gather [hbm4b:s11+s9], $0x80, s17, s9, $0xb8;
	[tilespmem:$0x10800] =	vst v63  }
0x5a: {  	_ =	swait.ge [sflag:s16], $0x4000  }
0x5b: {  	[sflag:s16] =	ssyncset.done $0x0  }
0x5c: {  	[sflag:s16] =	ssyncadd.s32 $0xFFFFC000  }
0x5d: {  	_ =	swait.ge [sflag:s16], $0x4000  }
0x5e: {  	[sflag:s16] =	ssyncset.done $0x0  }
0x5f: {  	[sflag:s16] =	ssyncadd.s32 $0xFFFFC000  }
0x60: {  	_ =	swait.ge [sflag:s16], $0x4000  }
0x61: {  	[sflag:s16] =	ssyncset.done $0x0  }
0x62: {  	[sflag:s16] =	ssyncadd.s32 $0xFFFFC000  }
0x63: {  	_ =	swait.ge [sflag:s16], $0x4000  }
0x64: {  	[sflag:s16] =	ssyncset.done $0x0  }
0x65: {  	[sflag:s16] =	ssyncadd.s32 $0xFFFFC000  }
0x66: {  	[hbm4b:s19+s2] =	stream.linear.scatter [tilespmem:s10], [sflag:$0x2], $0x8000, $0x38;
	[tilespmem:$0x10800] =	vst v63  }
0x67: {  	_ =	swait.ge [sflag:s3], $0x8000  }
0x68: {  	[sflag:s3] =	ssyncset.done $0x0  }
0x69: {  	[sflag:s3] =	ssyncadd.s32 $0xFFFF8000  }
0x6a: {  	[hbm4b:s20+s2] =	stream.linear.scatter [tilespmem:s13], [sflag:$0x2], $0x8000, $0x38;
	[tilespmem:$0x10800] =	vst v63  }
0x6b: {  	_ =	swait.ge [sflag:s3], $0x8000  }
0x6c: {  	[sflag:s3] =	ssyncset.done $0x0  }
0x6d: {  	[sflag:s3] =	ssyncadd.s32 $0xFFFF8000  }
0x6e: {  	[tilespmem:s10], [sflag:$0x1] =	stream.indirect.gather [hbm4b:s7+s9], $0x80, s21, s9, $0xb8;
	[tilespmem:$0x10800] =	vst v63  }
0x6f: {  	_ = 	snop  }
0x70: {  	[tilespmem:s13], [sflag:$0x1] =	stream.indirect.gather [hbm4b:s11+s9], $0x80, s22, s9, $0xb8;
	[tilespmem:$0x10800] =	vst v63  }
0x71: {  	_ = 	snop  }
0x72: {  	[tilespmem:s15], [sflag:$0x1] =	stream.indirect.gather [hbm4b:s7+s9], $0x80, s23, s9, $0xb8;
	[tilespmem:$0x10800] =	vst v63  }
0x73: {  	_ = 	snop  }
0x74: {  	[tilespmem:s18], [sflag:$0x1] =	stream.indirect.gather [hbm4b:s11+s9], $0x80, s24, s9, $0xb8;
	[tilespmem:$0x10800] =	vst v63  }
0x75: {  	_ =	swait.ge [sflag:s16], $0x4000  }
0x76: {  	[sflag:s16] =	ssyncset.done $0x0  }
0x77: {  	[sflag:s16] =	ssyncadd.s32 $0xFFFFC000  }
0x78: {  	_ =	swait.ge [sflag:s16], $0x4000  }
0x79: {  	[sflag:s16] =	ssyncset.done $0x0  }
0x7a: {  	[sflag:s16] =	ssyncadd.s32 $0xFFFFC000  }
0x7b: {  	_ =	swait.ge [sflag:s16], $0x4000  }
0x7c: {  	[sflag:s16] =	ssyncset.done $0x0  }
0x7d: {  	[sflag:s16] =	ssyncadd.s32 $0xFFFFC000  }
0x7e: {  	_ =	swait.ge [sflag:s16], $0x4000  }
0x7f: {  	[sflag:s16] =	ssyncset.done $0x0  }
0x80: {  	[sflag:s16] =	ssyncadd.s32 $0xFFFFC000  }
0x81: {  	[hbm4b:s25+s2] =	stream.linear.scatter [tilespmem:s10], [sflag:$0x2], $0x8000, $0x38;
	[tilespmem:$0x10800] =	vst v63  }
0x82: {  	_ =	swait.ge [sflag:s3], $0x8000  }
.Ltmp1:
0x83: {  	[sflag:s3] =	ssyncset.done $0x0;
	(pc) =	sbr.rel @p0 .LBB2_1-.Ltmp1, $4  }
0x84: {  	[sflag:s3] =	ssyncadd.s32 $0xFFFF8000  }
0x85: {  	[hbm4b:s26+s2] =	stream.linear.scatter [tilespmem:s13], [sflag:$0x2], $0x8000, $0x38;
	[tilespmem:$0x10800] =	vst v63  }
0x86: {  	_ =	swait.ge [sflag:s3], $0x8000  }
0x87: {  	[sflag:s3] =	ssyncset.done $0x0  }
.LBB2_2:
0x88: {  	[sflag:s3] =	ssyncadd.s32 $0xFFFF8000  }
0x89: {  	_ =	sfence.sel $0x180000  }
0x8a: {  	[bflag:$0x0] =	sbarrier.arrive $0xFFFF  }
0x8b: {  	p0 =	sne.s32 s0, $0x0;
	_ =	strace $0x90000047  }
0x8c: {  	s0 =	sadd.s32 @!p0 $0x100000, s1;
	[bflag:$0x2] =	sbarrier.arrive $0xFFFF  }
0x8d: {  	[sflag:s0] =	ssyncadd.tile.s32 @!p0 $0x1;
	_ =	shalt  }
.Lfunc_end2:
_tile_overlayer_lowered:
.L_overlay_start_2:
0x8e: {  	(tag) =	ssettag $0x2  }
0x8f: {  	s0 =	rddreg [dreg:$0x0];
	s2 =	stileid.u32  }
0x90: {  	s1 =	rddreg [dreg:$0x1];
	p0 =	sne.s32 s2, $0x0  }
0x91: {  	s3 =	rddreg [dreg:$0x2];
	[bflag:$0x3] =	sbarrier.arrive $0xFFFF;
	s2 =	simm.s32 @!p0 $0x1C02  }
0x92: {  	[timem:s3], [sflag:s2] =	dma.local @!p0 [hbm:s0], s1  }
0x93: {  	s0 =	simm.s32 @!p0 $0x2  }
0x94: {  	_ =	swait.ge @!p0 [sflag:s0], s1  }
0x95: {  	s1 =	ssub.s32 @!p0 $0x0, s1;
	[sflag:s0] =	ssyncset.done @!p0 $0x0  }
0x96: {  	[sflag:s0] =	ssyncadd.s32 @!p0 s1  }
0x97: {  	[bflag:$0x3] =	sbarrier.arrive $0xFFFF  }
0x98: {  	_ =	shalt  }

</sc_bundles>
